<compile_context>
chip_gen: v7x
topology: tpu7x:2x2x1
jax: 0.10.2.dev20260603
libtpu: 0.0.44.dev20260713+nightly
codegen_flags: <defaults>
</compile_context>

<pallas_src>
import functools

import jax
import jax.numpy as jnp
from jax import lax
from jax.experimental import pallas as pl
from jax.experimental.pallas import tpu as pltpu
from jax.experimental.pallas import tpu_sc as plsc

N, E, D, H, O, G = 10000, 320000, 128, 128, 8, 32

NC, NS, L = 2, 16, 16
NW = NC * NS
CHUNK = 128
EPT = E // NW
CHUNKS = (EPT + CHUNK - 1) // CHUNK
EPT_PAD = CHUNKS * CHUNK
N_PAD = 10240
RPS = N_PAD // NS
ZR = 64


def _make_sc_agg(with_deg):
    out_type = [jax.ShapeDtypeStruct((NC, N_PAD, D), jnp.float32)]
    scratch = [
        pltpu.VMEM((CHUNKS, CHUNK), jnp.int32),
        pltpu.VMEM((CHUNKS, CHUNK), jnp.int32),
        pltpu.VMEM((CHUNK, D), jnp.float32),
        pltpu.VMEM((ZR, D), jnp.float32),
        pltpu.VMEM_SHARED((N_PAD, D), jnp.float32),
        pltpu.SemaphoreType.DMA,
        pltpu.SemaphoreType.DMA,
    ]
    if with_deg:
        out_type.append(jax.ShapeDtypeStruct((NC, N_PAD), jnp.float32))
        scratch += [
            pltpu.VMEM((CHUNK,), jnp.float32),
            pltpu.VMEM((RPS,), jnp.float32),
            pltpu.VMEM_SHARED((N_PAD,), jnp.float32),
            pltpu.SemaphoreType.DMA,
        ]

    def body(table_hbm, src_hbm, dst_hbm, zeros_hbm, ones_hbm, *refs):
        if with_deg:
            (agg_out, deg_out, src_v, dst_v, gbuf, zbuf, acc_sh, gsem, ssem,
             ones_v, z1buf, deg_sh, dsem) = refs
        else:
            agg_out, src_v, dst_v, gbuf, zbuf, acc_sh, gsem, ssem = refs
        cid = lax.axis_index("c")
        sid = lax.axis_index("s")
        wid = sid * NC + cid

        pltpu.sync_copy(src_hbm.at[wid], src_v)
        pltpu.sync_copy(dst_hbm.at[wid], dst_v)

        pltpu.sync_copy(zeros_hbm, zbuf)

        def zero_body(i, carry):
            pltpu.sync_copy(zbuf, acc_sh.at[pl.ds(sid * RPS + i * ZR, ZR)])
            return carry

        lax.fori_loop(0, RPS // ZR, zero_body, 0)
        if with_deg:
            pltpu.sync_copy(ones_hbm, ones_v)

            def z1_body(i, carry):
                z1buf[pl.ds(i * 16, 16)] = jnp.zeros((16,), jnp.float32)
                return carry

            lax.fori_loop(0, RPS // 16, z1_body, 0)
            pltpu.sync_copy(z1buf, deg_sh.at[pl.ds(sid * RPS, RPS)])
        plsc.subcore_barrier()

        def loop(c, carry):
            pltpu.async_copy(table_hbm.at[src_v.at[c]], gbuf, gsem).wait()
            scat = pltpu.async_copy(gbuf, acc_sh.at[dst_v.at[c]], ssem,
                                    add=True)
            if with_deg:
                pltpu.async_copy(ones_v, deg_sh.at[dst_v.at[c]], dsem,
                                 add=True).wait()
            scat.wait()
            return carry

        lax.fori_loop(0, CHUNKS, loop, 0)
        plsc.subcore_barrier()

        pltpu.sync_copy(acc_sh.at[pl.ds(sid * RPS, RPS)],
                        agg_out.at[cid, pl.ds(sid * RPS, RPS)])
        if with_deg:
            pltpu.sync_copy(deg_sh.at[pl.ds(sid * RPS, RPS)],
                            deg_out.at[cid, pl.ds(sid * RPS, RPS)])

    return pl.kernel(
        body,
        out_type=out_type,
        mesh=plsc.VectorSubcoreMesh(core_axis_name="c", subcore_axis_name="s"),
        scratch_types=scratch,
    )


_sc_agg_deg = _make_sc_agg(True)
_sc_agg = _make_sc_agg(False)


_DN = (((1,), (1,)), ((), ()))


def _tc0_body(agg_ref, deg_ref, x_ref, w0l_ref, b0l_ref, w0r_ref, w1_ref,
              b1_ref, out_ref):
    agg = agg_ref[0, :N, :] + agg_ref[1, :N, :]
    deg = jnp.maximum(deg_ref[0, :N, :] + deg_ref[1, :N, :], 1.0)
    mean = agg / deg
    h0 = lax.dot_general(mean, w0l_ref[...], _DN,
                         preferred_element_type=jnp.float32)
    h0 = h0 + b0l_ref[...] + lax.dot_general(
        x_ref[...], w0r_ref[...], _DN, preferred_element_type=jnp.float32)
    h0 = jnp.maximum(h0, 0.0)
    h1 = lax.dot_general(h0, w1_ref[...], _DN,
                         preferred_element_type=jnp.float32) + b1_ref[...]
    out_ref[...] = jnp.maximum(h1, 0.0)


_tc0 = pl.pallas_call(
    _tc0_body,
    out_shape=jax.ShapeDtypeStruct((N, D), jnp.float32),
)


def _tc1_body(agg_ref, deg_ref, h1_ref, batch_ref, w2l_ref, b2l_ref, w2r_ref,
              fcw_ref, fcb_ref, out_ref):
    agg = agg_ref[0, :N, :] + agg_ref[1, :N, :]
    deg = jnp.maximum(deg_ref[0, :N, :] + deg_ref[1, :N, :], 1.0)
    mean = agg / deg
    h2 = lax.dot_general(mean, w2l_ref[...], _DN,
                         preferred_element_type=jnp.float32)
    h2 = h2 + b2l_ref[...] + lax.dot_general(
        h1_ref[...], w2r_ref[...], _DN, preferred_element_type=jnp.float32)
    h2 = jnp.maximum(h2, 0.0)
    gids = lax.broadcasted_iota(jnp.int32, (G, N), 0)
    onehot = (batch_ref[...] == gids).astype(jnp.float32)
    sums = lax.dot_general(onehot, h2, (((1,), (0,)), ((), ())),
                           preferred_element_type=jnp.float32)
    counts = jnp.sum(onehot, axis=1, keepdims=True)
    pooled = sums / jnp.maximum(counts, 1.0)
    out_ref[...] = lax.dot_general(pooled, fcw_ref[...], _DN,
                                   preferred_element_type=jnp.float32) \
        + fcb_ref[...]


_tc1 = pl.pallas_call(
    _tc1_body,
    out_shape=jax.ShapeDtypeStruct((G, O), jnp.float32),
)


def kernel(x, edge_index, batch, W0l, b0l, W0r, W1, b1, W2l, b2l, W2r,
           fcW, fcb):
    pad = EPT_PAD - EPT
    pad_dst = jnp.broadcast_to(N + (jnp.arange(pad) % (N_PAD - N)),
                               (NW, pad)).astype(jnp.int32)
    pad_src = jnp.zeros((NW, pad), jnp.int32)
    src_p = jnp.concatenate([edge_index[0].reshape(NW, EPT), pad_src], 1)
    dst_p = jnp.concatenate([edge_index[1].reshape(NW, EPT), pad_dst], 1)
    src_p = src_p.reshape(NW, CHUNKS, CHUNK)
    dst_p = dst_p.reshape(NW, CHUNKS, CHUNK)
    zeros_blk = jnp.zeros((ZR, D), jnp.float32)
    ones_blk = jnp.ones((CHUNK,), jnp.float32)

    agg0, deg = _sc_agg_deg(x, src_p, dst_p, zeros_blk, ones_blk)
    deg = deg.reshape(NC, N_PAD, 1)
    h1 = _tc0(agg0, deg, x, W0l, b0l.reshape(1, H), W0r, W1,
              b1.reshape(1, H))
    (agg2,) = _sc_agg(h1, src_p, dst_p, zeros_blk, ones_blk)
    out = _tc1(agg2, deg, h1, batch.reshape(1, N).astype(jnp.int32),
               W2l, b2l.reshape(1, H), W2r, fcW, fcb.reshape(1, O))
    return out

# --- scband reference (transcript-rebuilt; emitter-appended) ---
"""Pipeline reference for scband-static-gnn-34531537060254 (READ-ONLY COPY).

The authoritative reference and input builder live on the scoring server;
editing this copy changes nothing except your own understanding.
"""

import jax, jax.numpy as jnp
import numpy as np

N, E, D, H, O, G = 10000, 320000, 128, 128, 8, 32


def setup_inputs(seed: int = 0) -> dict:
    key = jax.random.key(seed)
    ks = jax.random.split(key, 16)
    x = jax.random.normal(ks[0], (N, D), dtype=jnp.float32)
    edge_index = jax.random.randint(ks[1], (2, E), 0, N)
    batch = jnp.sort(jax.random.randint(ks[2], (N,), 0, G))
    s_in = 1.0 / np.sqrt(D)
    s_h = 1.0 / np.sqrt(H)
    # SAGEConv 0: lin_l (neighbors, with bias), lin_r (root, no bias)
    W0l = jax.random.uniform(ks[3], (H, D), jnp.float32, -s_in, s_in)
    b0l = jax.random.uniform(ks[4], (H,), jnp.float32, -s_in, s_in)
    W0r = jax.random.uniform(ks[5], (H, D), jnp.float32, -s_in, s_in)
    # Linear hidden layer
    W1 = jax.random.uniform(ks[6], (H, H), jnp.float32, -s_h, s_h)
    b1 = jax.random.uniform(ks[7], (H,), jnp.float32, -s_h, s_h)
    # SAGEConv 2
    W2l = jax.random.uniform(ks[8], (H, H), jnp.float32, -s_h, s_h)
    b2l = jax.random.uniform(ks[9], (H,), jnp.float32, -s_h, s_h)
    W2r = jax.random.uniform(ks[10], (H, H), jnp.float32, -s_h, s_h)
    # Final fc
    fcW = jax.random.uniform(ks[11], (O, H), jnp.float32, -s_h, s_h)
    fcb = jax.random.uniform(ks[12], (O,), jnp.float32, -s_h, s_h)
    return {"x": x, "edge_index": edge_index, "batch": batch,
            "W0l": W0l, "b0l": b0l, "W0r": W0r,
            "W1": W1, "b1": b1,
            "W2l": W2l, "b2l": b2l, "W2r": W2r,
            "fcW": fcW, "fcb": fcb}


def _sage(h, src, dst, Wl, bl, Wr, n_nodes):
    # GraphSAGE with mean aggregation: lin_l(mean_{j in N(i)} x_j) + lin_r(x_i)
    msgs = jnp.take(h, src, axis=0)
    agg = jax.ops.segment_sum(msgs, dst, num_segments=n_nodes)
    deg = jax.ops.segment_sum(jnp.ones((src.shape[0],), h.dtype), dst, num_segments=n_nodes)
    mean = agg / jnp.maximum(deg, 1.0)[:, None]
    return mean @ Wl.T + bl + h @ Wr.T


def reference(x, edge_index, batch, W0l, b0l, W0r, W1, b1, W2l, b2l, W2r, fcW, fcb):
    n_nodes = x.shape[0]
    src = edge_index[0]
    dst = edge_index[1]
    # conv0 + relu (+ dropout: identity in eval mode)
    h = jax.nn.relu(_sage(x, src, dst, W0l, b0l, W0r, n_nodes))
    # linear + relu
    h = jax.nn.relu(h @ W1.T + b1)
    # conv2 + relu
    h = jax.nn.relu(_sage(h, src, dst, W2l, b2l, W2r, n_nodes))
    # global mean pool over graphs
    sums = jax.ops.segment_sum(h, batch, num_segments=G)
    counts = jax.ops.segment_sum(jnp.ones((n_nodes,), h.dtype), batch, num_segments=G)
    pooled = sums / jnp.maximum(counts, 1.0)[:, None]
    return pooled @ fcW.T + fcb

if __name__ == "__main__":
    import jax
    _d = setup_inputs()
    print(jax.jit(kernel)(*tuple(_d.values())))

</pallas_src>

<mosaic_0001>
#map = affine_map<(d0, d1) -> (0, 0)>
#map1 = affine_map<(d0, d1) -> (0, 0, 0)>
#map2 = affine_map<(d0, d1) -> (0)>
module attributes {stable_mosaic.version = 14 : i64} {
  func.func @body(%arg0: i32, %arg1: i32, %arg2: memref<10000x128xf32, #tpu.memory_space<hbm>>, %arg3: memref<32x79x128xi32, #tpu.memory_space<hbm>>, %arg4: memref<32x79x128xi32, #tpu.memory_space<hbm>>, %arg5: memref<64x128xf32, #tpu.memory_space<hbm>>, %arg6: memref<128xf32, #tpu.memory_space<hbm>>, %arg7: memref<2x10240x128xf32, #tpu.memory_space<hbm>>, %arg8: memref<79x128xi32, #tpu.memory_space<vmem>>, %arg9: memref<79x128xi32, #tpu.memory_space<vmem>>, %arg10: memref<128x128xf32, #tpu.memory_space<vmem>>, %arg11: memref<64x128xf32, #tpu.memory_space<vmem>>, %arg12: memref<10240x128xf32, #tpu.memory_space<vmem_shared>>, %arg13: memref<!tpu.dma_semaphore, #tpu.memory_space<semaphore_mem>>, %arg14: memref<!tpu.dma_semaphore, #tpu.memory_space<semaphore_mem>>) attributes {dimension_semantics = [#tpu.dimension_semantics<core_parallel>, #tpu.dimension_semantics<subcore_parallel>], iteration_bounds = array<i64: 2, 16>, scalar_prefetch = 0 : i64, scratch_operands = 7 : i64, tpu.core_type = #tpu.core_type<sc_vector_subcore>, window_params = [{transform_indices = #map}, {transform_indices = #map1}, {transform_indices = #map1}, {transform_indices = #map}, {transform_indices = #map2}, {transform_indices = #map1}]} {
    %mul3A = arith.constant 2 : i32
    %mul3A_0 = arith.muli %arg1, %mul3A : i32
    %add3A = arith.addi %mul3A_0, %arg0 : i32
    "tpu.region"() ({
      %run_scoped3A = tpu.sem_alloc : memref<!tpu.dma_semaphore, #tpu.memory_space<semaphore_mem>>
      %dma_start3A = arith.constant 0 : i32
      %dma_start3A_17 = arith.constant 0 : i32
      %dma_start3A_18 = tpu.memref_slice %arg3[%add3A, %dma_start3A, %dma_start3A_17] : memref<32x79x128xi32, #tpu.memory_space<hbm>> -> memref<1x79x128xi32, #tpu.memory_space<hbm>>
      %dma_start3A_19 = tpu.memref_squeeze %dma_start3A_18 : memref<1x79x128xi32, #tpu.memory_space<hbm>> -> memref<79x128xi32, #tpu.memory_space<hbm>>
      %dma_start3A_20 = arith.constant 0 : i32
      %dma_start3A_21 = arith.constant 0 : i32
      %dma_start3A_22 = tpu.memref_slice %arg3[%add3A, %dma_start3A_20, %dma_start3A_21] : memref<32x79x128xi32, #tpu.memory_space<hbm>> -> memref<1x79x128xi32, #tpu.memory_space<hbm>>
      %dma_start3A_23 = tpu.memref_squeeze %dma_start3A_22 : memref<1x79x128xi32, #tpu.memory_space<hbm>> -> memref<79x128xi32, #tpu.memory_space<hbm>>
      tpu.enqueue_dma source(%dma_start3A_23 : memref<79x128xi32, #tpu.memory_space<hbm>>) target(%arg8 : memref<79x128xi32, #tpu.memory_space<vmem>>) target_semaphore(%run_scoped3A : memref<!tpu.dma_semaphore, #tpu.memory_space<semaphore_mem>>)
      %dma_wait3A = arith.constant 0 : i32
      %dma_wait3A_24 = arith.constant 0 : i32
      %dma_wait3A_25 = tpu.memref_slice %arg3[%add3A, %dma_wait3A, %dma_wait3A_24] : memref<32x79x128xi32, #tpu.memory_space<hbm>> -> memref<1x79x128xi32, #tpu.memory_space<hbm>>
      %dma_wait3A_26 = tpu.memref_squeeze %dma_wait3A_25 : memref<1x79x128xi32, #tpu.memory_space<hbm>> -> memref<79x128xi32, #tpu.memory_space<hbm>>
      %dma_wait3A_27 = arith.constant 0 : i32
      %dma_wait3A_28 = arith.constant 0 : i32
      %dma_wait3A_29 = tpu.memref_slice %arg3[%add3A, %dma_wait3A_27, %dma_wait3A_28] : memref<32x79x128xi32, #tpu.memory_space<hbm>> -> memref<1x79x128xi32, #tpu.memory_space<hbm>>
      %dma_wait3A_30 = tpu.memref_squeeze %dma_wait3A_29 : memref<1x79x128xi32, #tpu.memory_space<hbm>> -> memref<79x128xi32, #tpu.memory_space<hbm>>
      tpu.wait_dma2 semaphore(%run_scoped3A : memref<!tpu.dma_semaphore, #tpu.memory_space<semaphore_mem>>) src(%dma_wait3A_30 : memref<79x128xi32, #tpu.memory_space<hbm>>) dst(%arg8 : memref<79x128xi32, #tpu.memory_space<vmem>>)
      tpu.yield
    }) : () -> ()
    "tpu.region"() ({
      %run_scoped3A = tpu.sem_alloc : memref<!tpu.dma_semaphore, #tpu.memory_space<semaphore_mem>>
      %dma_start3A = arith.constant 0 : i32
      %dma_start3A_17 = arith.constant 0 : i32
      %dma_start3A_18 = tpu.memref_slice %arg4[%add3A, %dma_start3A, %dma_start3A_17] : memref<32x79x128xi32, #tpu.memory_space<hbm>> -> memref<1x79x128xi32, #tpu.memory_space<hbm>>
      %dma_start3A_19 = tpu.memref_squeeze %dma_start3A_18 : memref<1x79x128xi32, #tpu.memory_space<hbm>> -> memref<79x128xi32, #tpu.memory_space<hbm>>
      %dma_start3A_20 = arith.constant 0 : i32
      %dma_start3A_21 = arith.constant 0 : i32
      %dma_start3A_22 = tpu.memref_slice %arg4[%add3A, %dma_start3A_20, %dma_start3A_21] : memref<32x79x128xi32, #tpu.memory_space<hbm>> -> memref<1x79x128xi32, #tpu.memory_space<hbm>>
      %dma_start3A_23 = tpu.memref_squeeze %dma_start3A_22 : memref<1x79x128xi32, #tpu.memory_space<hbm>> -> memref<79x128xi32, #tpu.memory_space<hbm>>
      tpu.enqueue_dma source(%dma_start3A_23 : memref<79x128xi32, #tpu.memory_space<hbm>>) target(%arg9 : memref<79x128xi32, #tpu.memory_space<vmem>>) target_semaphore(%run_scoped3A : memref<!tpu.dma_semaphore, #tpu.memory_space<semaphore_mem>>)
      %dma_wait3A = arith.constant 0 : i32
      %dma_wait3A_24 = arith.constant 0 : i32
      %dma_wait3A_25 = tpu.memref_slice %arg4[%add3A, %dma_wait3A, %dma_wait3A_24] : memref<32x79x128xi32, #tpu.memory_space<hbm>> -> memref<1x79x128xi32, #tpu.memory_space<hbm>>
      %dma_wait3A_26 = tpu.memref_squeeze %dma_wait3A_25 : memref<1x79x128xi32, #tpu.memory_space<hbm>> -> memref<79x128xi32, #tpu.memory_space<hbm>>
      %dma_wait3A_27 = arith.constant 0 : i32
      %dma_wait3A_28 = arith.constant 0 : i32
      %dma_wait3A_29 = tpu.memref_slice %arg4[%add3A, %dma_wait3A_27, %dma_wait3A_28] : memref<32x79x128xi32, #tpu.memory_space<hbm>> -> memref<1x79x128xi32, #tpu.memory_space<hbm>>
      %dma_wait3A_30 = tpu.memref_squeeze %dma_wait3A_29 : memref<1x79x128xi32, #tpu.memory_space<hbm>> -> memref<79x128xi32, #tpu.memory_space<hbm>>
      tpu.wait_dma2 semaphore(%run_scoped3A : memref<!tpu.dma_semaphore, #tpu.memory_space<semaphore_mem>>) src(%dma_wait3A_30 : memref<79x128xi32, #tpu.memory_space<hbm>>) dst(%arg9 : memref<79x128xi32, #tpu.memory_space<vmem>>)
      tpu.yield
    }) : () -> ()
    "tpu.region"() ({
      %run_scoped3A = tpu.sem_alloc : memref<!tpu.dma_semaphore, #tpu.memory_space<semaphore_mem>>
      tpu.enqueue_dma source(%arg5 : memref<64x128xf32, #tpu.memory_space<hbm>>) target(%arg11 : memref<64x128xf32, #tpu.memory_space<vmem>>) target_semaphore(%run_scoped3A : memref<!tpu.dma_semaphore, #tpu.memory_space<semaphore_mem>>)
      tpu.wait_dma2 semaphore(%run_scoped3A : memref<!tpu.dma_semaphore, #tpu.memory_space<semaphore_mem>>) src(%arg5 : memref<64x128xf32, #tpu.memory_space<hbm>>) dst(%arg11 : memref<64x128xf32, #tpu.memory_space<vmem>>)
      tpu.yield
    }) : () -> ()
    %scan3A = arith.constant 0 : i32
    %scan3A_1 = arith.constant 0 : i32
    %scan3A_2 = arith.constant 10 : i32
    %scan3A_3 = arith.addi %scan3A_1, %scan3A_2 : i32
    %scan3A_4 = arith.constant 1 : i32
    scf.for %scan3A_17 = %scan3A_1 to %scan3A_3 step %scan3A_4  : i32 {
      %mul3A_18 = arith.constant 640 : i32
      %mul3A_19 = arith.muli %arg1, %mul3A_18 : i32
      %mul3A_20 = arith.constant 64 : i32
      %mul3A_21 = arith.muli %scan3A_17, %mul3A_20 : i32
      %add3A_22 = arith.addi %mul3A_19, %mul3A_21 : i32
      "tpu.region"() ({
        %run_scoped3A = tpu.sem_alloc : memref<!tpu.dma_semaphore, #tpu.memory_space<semaphore_mem>>
        %dma_start3A = arith.constant 0 : i32
        %dma_start3A_23 = tpu.memref_slice %arg12[%add3A_22, %dma_start3A] : memref<10240x128xf32, #tpu.memory_space<vmem_shared>> -> memref<64x128xf32, #tpu.memory_space<vmem_shared>>
        %dma_start3A_24 = arith.constant 0 : i32
        %dma_start3A_25 = tpu.memref_slice %arg12[%add3A_22, %dma_start3A_24] : memref<10240x128xf32, #tpu.memory_space<vmem_shared>> -> memref<64x128xf32, #tpu.memory_space<vmem_shared>>
        tpu.enqueue_dma source(%arg11 : memref<64x128xf32, #tpu.memory_space<vmem>>) target(%dma_start3A_25 : memref<64x128xf32, #tpu.memory_space<vmem_shared>>) target_semaphore(%run_scoped3A : memref<!tpu.dma_semaphore, #tpu.memory_space<semaphore_mem>>)
        %dma_wait3A = arith.constant 0 : i32
        %dma_wait3A_26 = tpu.memref_slice %arg12[%add3A_22, %dma_wait3A] : memref<10240x128xf32, #tpu.memory_space<vmem_shared>> -> memref<64x128xf32, #tpu.memory_space<vmem_shared>>
        %dma_wait3A_27 = arith.constant 0 : i32
        %dma_wait3A_28 = tpu.memref_slice %arg12[%add3A_22, %dma_wait3A_27] : memref<10240x128xf32, #tpu.memory_space<vmem_shared>> -> memref<64x128xf32, #tpu.memory_space<vmem_shared>>
        tpu.wait_dma2 semaphore(%run_scoped3A : memref<!tpu.dma_semaphore, #tpu.memory_space<semaphore_mem>>) src(%arg11 : memref<64x128xf32, #tpu.memory_space<vmem>>) dst(%dma_wait3A_28 : memref<64x128xf32, #tpu.memory_space<vmem_shared>>)
        tpu.yield
      }) : () -> ()
    }
    %scan3A_5 = arith.constant 10 : i32
    %barrier3A = arith.constant 0 : index
    tpu.barrier barrier_id(%barrier3A)
    %scan3A_6 = arith.constant 0 : i32
    %scan3A_7 = arith.constant 0 : i32
    %scan3A_8 = arith.constant 79 : i32
    %scan3A_9 = arith.addi %scan3A_7, %scan3A_8 : i32
    %scan3A_10 = arith.constant 1 : i32
    scf.for %scan3A_17 = %scan3A_7 to %scan3A_9 step %scan3A_10  : i32 {
      %dma_start3A = arith.constant 0 : i32
      %dma_start3A_18 = tpu.memref_slice %arg8[%scan3A_17, %dma_start3A] : memref<79x128xi32, #tpu.memory_space<vmem>> -> memref<1x128xi32, #tpu.memory_space<vmem>>
      %dma_start3A_19 = tpu.memref_squeeze %dma_start3A_18 : memref<1x128xi32, #tpu.memory_space<vmem>> -> memref<128xi32, #tpu.memory_space<vmem>>
      %dma_start3A_20 = arith.constant 0 : i32
      %dma_start3A_21 = arith.constant 0 : i32
      %dma_start3A_22 = tpu.memref_slice %arg2[%dma_start3A_20, %dma_start3A_21] : memref<10000x128xf32, #tpu.memory_space<hbm>> -> memref<10000x128xf32, #tpu.memory_space<hbm>>
      tpu.enqueue_indirect_dma source(%dma_start3A_22 : memref<10000x128xf32, #tpu.memory_space<hbm>>) target(%arg10 : memref<128x128xf32, #tpu.memory_space<vmem>>) offsets(%dma_start3A_19 : memref<128xi32, #tpu.memory_space<vmem>>) semaphore(%arg13 : memref<!tpu.dma_semaphore, #tpu.memory_space<semaphore_mem>>)
      %dma_wait3A = arith.constant 0 : i32
      %dma_wait3A_23 = tpu.memref_slice %arg8[%scan3A_17, %dma_wait3A] : memref<79x128xi32, #tpu.memory_space<vmem>> -> memref<1x128xi32, #tpu.memory_space<vmem>>
      %dma_wait3A_24 = tpu.memref_squeeze %dma_wait3A_23 : memref<1x128xi32, #tpu.memory_space<vmem>> -> memref<128xi32, #tpu.memory_space<vmem>>
      %dma_wait3A_25 = arith.constant 0 : i32
      %dma_wait3A_26 = arith.constant 0 : i32
      %dma_wait3A_27 = tpu.memref_slice %arg2[%dma_wait3A_25, %dma_wait3A_26] : memref<10000x128xf32, #tpu.memory_space<hbm>> -> memref<10000x128xf32, #tpu.memory_space<hbm>>
      tpu.wait_indirect_dma semaphore(%arg13 : memref<!tpu.dma_semaphore, #tpu.memory_space<semaphore_mem>>) src(%dma_wait3A_27 : memref<10000x128xf32, #tpu.memory_space<hbm>>) dst(%arg10 : memref<128x128xf32, #tpu.memory_space<vmem>>)
      %dma_start3A_28 = arith.constant 0 : i32
      %dma_start3A_29 = tpu.memref_slice %arg9[%scan3A_17, %dma_start3A_28] : memref<79x128xi32, #tpu.memory_space<vmem>> -> memref<1x128xi32, #tpu.memory_space<vmem>>
      %dma_start3A_30 = tpu.memref_squeeze %dma_start3A_29 : memref<1x128xi32, #tpu.memory_space<vmem>> -> memref<128xi32, #tpu.memory_space<vmem>>
      %dma_start3A_31 = arith.constant 0 : i32
      %dma_start3A_32 = arith.constant 0 : i32
      %dma_start3A_33 = tpu.memref_slice %arg12[%dma_start3A_31, %dma_start3A_32] : memref<10240x128xf32, #tpu.memory_space<vmem_shared>> -> memref<10240x128xf32, #tpu.memory_space<vmem_shared>>
      tpu.enqueue_indirect_dma source(%arg10 : memref<128x128xf32, #tpu.memory_space<vmem>>) target(%dma_start3A_33 : memref<10240x128xf32, #tpu.memory_space<vmem_shared>>) offsets(%dma_start3A_30 : memref<128xi32, #tpu.memory_space<vmem>>) semaphore(%arg14 : memref<!tpu.dma_semaphore, #tpu.memory_space<semaphore_mem>>) {add = true}
      %dma_wait3A_34 = arith.constant 0 : i32
      %dma_wait3A_35 = tpu.memref_slice %arg9[%scan3A_17, %dma_wait3A_34] : memref<79x128xi32, #tpu.memory_space<vmem>> -> memref<1x128xi32, #tpu.memory_space<vmem>>
      %dma_wait3A_36 = tpu.memref_squeeze %dma_wait3A_35 : memref<1x128xi32, #tpu.memory_space<vmem>> -> memref<128xi32, #tpu.memory_space<vmem>>
      %dma_wait3A_37 = arith.constant 0 : i32
      %dma_wait3A_38 = arith.constant 0 : i32
      %dma_wait3A_39 = tpu.memref_slice %arg12[%dma_wait3A_37, %dma_wait3A_38] : memref<10240x128xf32, #tpu.memory_space<vmem_shared>> -> memref<10240x128xf32, #tpu.memory_space<vmem_shared>>
      tpu.wait_indirect_dma semaphore(%arg14 : memref<!tpu.dma_semaphore, #tpu.memory_space<semaphore_mem>>) src(%arg10 : memref<128x128xf32, #tpu.memory_space<vmem>>) dst(%dma_wait3A_39 : memref<10240x128xf32, #tpu.memory_space<vmem_shared>>)
    }
    %scan3A_11 = arith.constant 79 : i32
    %barrier3A_12 = arith.constant 0 : index
    tpu.barrier barrier_id(%barrier3A_12)
    %mul3A_13 = arith.constant 640 : i32
    %mul3A_14 = arith.muli %arg1, %mul3A_13 : i32
    %mul3A_15 = arith.constant 640 : i32
    %mul3A_16 = arith.muli %arg1, %mul3A_15 : i32
    "tpu.region"() ({
      %run_scoped3A = tpu.sem_alloc : memref<!tpu.dma_semaphore, #tpu.memory_space<semaphore_mem>>
      %dma_start3A = arith.constant 0 : i32
      %dma_start3A_17 = tpu.memref_slice %arg7[%arg0, %mul3A_16, %dma_start3A] : memref<2x10240x128xf32, #tpu.memory_space<hbm>> -> memref<1x640x128xf32, #tpu.memory_space<hbm>>
      %dma_start3A_18 = tpu.memref_squeeze %dma_start3A_17 : memref<1x640x128xf32, #tpu.memory_space<hbm>> -> memref<640x128xf32, #tpu.memory_space<hbm>>
      %dma_start3A_19 = arith.constant 0 : i32
      %dma_start3A_20 = tpu.memref_slice %arg12[%mul3A_14, %dma_start3A_19] : memref<10240x128xf32, #tpu.memory_space<vmem_shared>> -> memref<640x128xf32, #tpu.memory_space<vmem_shared>>
      tpu.enqueue_dma source(%dma_start3A_20 : memref<640x128xf32, #tpu.memory_space<vmem_shared>>) target(%dma_start3A_18 : memref<640x128xf32, #tpu.memory_space<hbm>>) target_semaphore(%run_scoped3A : memref<!tpu.dma_semaphore, #tpu.memory_space<semaphore_mem>>)
      %dma_wait3A = arith.constant 0 : i32
      %dma_wait3A_21 = tpu.memref_slice %arg7[%arg0, %mul3A_16, %dma_wait3A] : memref<2x10240x128xf32, #tpu.memory_space<hbm>> -> memref<1x640x128xf32, #tpu.memory_space<hbm>>
      %dma_wait3A_22 = tpu.memref_squeeze %dma_wait3A_21 : memref<1x640x128xf32, #tpu.memory_space<hbm>> -> memref<640x128xf32, #tpu.memory_space<hbm>>
      %dma_wait3A_23 = arith.constant 0 : i32
      %dma_wait3A_24 = tpu.memref_slice %arg12[%mul3A_14, %dma_wait3A_23] : memref<10240x128xf32, #tpu.memory_space<vmem_shared>> -> memref<640x128xf32, #tpu.memory_space<vmem_shared>>
      tpu.wait_dma2 semaphore(%run_scoped3A : memref<!tpu.dma_semaphore, #tpu.memory_space<semaphore_mem>>) src(%dma_wait3A_24 : memref<640x128xf32, #tpu.memory_space<vmem_shared>>) dst(%dma_wait3A_22 : memref<640x128xf32, #tpu.memory_space<hbm>>)
      tpu.yield
    }) : () -> ()
    return
  }
}

#map = affine_map<(d0, d1) -> (0, 0)>
#map1 = affine_map<(d0, d1) -> (0, 0, 0)>
#map2 = affine_map<(d0, d1) -> (0)>
module attributes {stable_mosaic.version = 14 : i64} {
  func.func @body(%arg0: i32, %arg1: i32, %arg2: memref<10000x128xf32, #tpu.memory_space<hbm>>, %arg3: memref<32x79x128xi32, #tpu.memory_space<hbm>>, %arg4: memref<32x79x128xi32, #tpu.memory_space<hbm>>, %arg5: memref<64x128xf32, #tpu.memory_space<hbm>>, %arg6: memref<128xf32, #tpu.memory_space<hbm>>, %arg7: memref<2x10240x128xf32, #tpu.memory_space<hbm>>, %arg8: memref<2x10240xf32, #tpu.memory_space<hbm>>, %arg9: memref<79x128xi32, #tpu.memory_space<vmem>>, %arg10: memref<79x128xi32, #tpu.memory_space<vmem>>, %arg11: memref<128x128xf32, #tpu.memory_space<vmem>>, %arg12: memref<64x128xf32, #tpu.memory_space<vmem>>, %arg13: memref<10240x128xf32, #tpu.memory_space<vmem_shared>>, %arg14: memref<!tpu.dma_semaphore, #tpu.memory_space<semaphore_mem>>, %arg15: memref<!tpu.dma_semaphore, #tpu.memory_space<semaphore_mem>>, %arg16: memref<128xf32, #tpu.memory_space<vmem>>, %arg17: memref<640xf32, #tpu.memory_space<vmem>>, %arg18: memref<10240xf32, #tpu.memory_space<vmem_shared>>, %arg19: memref<!tpu.dma_semaphore, #tpu.memory_space<semaphore_mem>>) attributes {dimension_semantics = [#tpu.dimension_semantics<core_parallel>, #tpu.dimension_semantics<subcore_parallel>], iteration_bounds = array<i64: 2, 16>, scalar_prefetch = 0 : i64, scratch_operands = 11 : i64, tpu.core_type = #tpu.core_type<sc_vector_subcore>, window_params = [{transform_indices = #map}, {transform_indices = #map1}, {transform_indices = #map1}, {transform_indices = #map}, {transform_indices = #map2}, {transform_indices = #map1}, {transform_indices = #map}]} {
    %mul3A = arith.constant 2 : i32
    %mul3A_0 = arith.muli %arg1, %mul3A : i32
    %add3A = arith.addi %mul3A_0, %arg0 : i32
    "tpu.region"() ({
      %run_scoped3A = tpu.sem_alloc : memref<!tpu.dma_semaphore, #tpu.memory_space<semaphore_mem>>
      %dma_start3A = arith.constant 0 : i32
      %dma_start3A_29 = arith.constant 0 : i32
      %dma_start3A_30 = tpu.memref_slice %arg3[%add3A, %dma_start3A, %dma_start3A_29] : memref<32x79x128xi32, #tpu.memory_space<hbm>> -> memref<1x79x128xi32, #tpu.memory_space<hbm>>
      %dma_start3A_31 = tpu.memref_squeeze %dma_start3A_30 : memref<1x79x128xi32, #tpu.memory_space<hbm>> -> memref<79x128xi32, #tpu.memory_space<hbm>>
      %dma_start3A_32 = arith.constant 0 : i32
      %dma_start3A_33 = arith.constant 0 : i32
      %dma_start3A_34 = tpu.memref_slice %arg3[%add3A, %dma_start3A_32, %dma_start3A_33] : memref<32x79x128xi32, #tpu.memory_space<hbm>> -> memref<1x79x128xi32, #tpu.memory_space<hbm>>
      %dma_start3A_35 = tpu.memref_squeeze %dma_start3A_34 : memref<1x79x128xi32, #tpu.memory_space<hbm>> -> memref<79x128xi32, #tpu.memory_space<hbm>>
      tpu.enqueue_dma source(%dma_start3A_35 : memref<79x128xi32, #tpu.memory_space<hbm>>) target(%arg9 : memref<79x128xi32, #tpu.memory_space<vmem>>) target_semaphore(%run_scoped3A : memref<!tpu.dma_semaphore, #tpu.memory_space<semaphore_mem>>)
      %dma_wait3A = arith.constant 0 : i32
      %dma_wait3A_36 = arith.constant 0 : i32
      %dma_wait3A_37 = tpu.memref_slice %arg3[%add3A, %dma_wait3A, %dma_wait3A_36] : memref<32x79x128xi32, #tpu.memory_space<hbm>> -> memref<1x79x128xi32, #tpu.memory_space<hbm>>
      %dma_wait3A_38 = tpu.memref_squeeze %dma_wait3A_37 : memref<1x79x128xi32, #tpu.memory_space<hbm>> -> memref<79x128xi32, #tpu.memory_space<hbm>>
      %dma_wait3A_39 = arith.constant 0 : i32
      %dma_wait3A_40 = arith.constant 0 : i32
      %dma_wait3A_41 = tpu.memref_slice %arg3[%add3A, %dma_wait3A_39, %dma_wait3A_40] : memref<32x79x128xi32, #tpu.memory_space<hbm>> -> memref<1x79x128xi32, #tpu.memory_space<hbm>>
      %dma_wait3A_42 = tpu.memref_squeeze %dma_wait3A_41 : memref<1x79x128xi32, #tpu.memory_space<hbm>> -> memref<79x128xi32, #tpu.memory_space<hbm>>
      tpu.wait_dma2 semaphore(%run_scoped3A : memref<!tpu.dma_semaphore, #tpu.memory_space<semaphore_mem>>) src(%dma_wait3A_42 : memref<79x128xi32, #tpu.memory_space<hbm>>) dst(%arg9 : memref<79x128xi32, #tpu.memory_space<vmem>>)
      tpu.yield
    }) : () -> ()
    "tpu.region"() ({
      %run_scoped3A = tpu.sem_alloc : memref<!tpu.dma_semaphore, #tpu.memory_space<semaphore_mem>>
      %dma_start3A = arith.constant 0 : i32
      %dma_start3A_29 = arith.constant 0 : i32
      %dma_start3A_30 = tpu.memref_slice %arg4[%add3A, %dma_start3A, %dma_start3A_29] : memref<32x79x128xi32, #tpu.memory_space<hbm>> -> memref<1x79x128xi32, #tpu.memory_space<hbm>>
      %dma_start3A_31 = tpu.memref_squeeze %dma_start3A_30 : memref<1x79x128xi32, #tpu.memory_space<hbm>> -> memref<79x128xi32, #tpu.memory_space<hbm>>
      %dma_start3A_32 = arith.constant 0 : i32
      %dma_start3A_33 = arith.constant 0 : i32
      %dma_start3A_34 = tpu.memref_slice %arg4[%add3A, %dma_start3A_32, %dma_start3A_33] : memref<32x79x128xi32, #tpu.memory_space<hbm>> -> memref<1x79x128xi32, #tpu.memory_space<hbm>>
      %dma_start3A_35 = tpu.memref_squeeze %dma_start3A_34 : memref<1x79x128xi32, #tpu.memory_space<hbm>> -> memref<79x128xi32, #tpu.memory_space<hbm>>
      tpu.enqueue_dma source(%dma_start3A_35 : memref<79x128xi32, #tpu.memory_space<hbm>>) target(%arg10 : memref<79x128xi32, #tpu.memory_space<vmem>>) target_semaphore(%run_scoped3A : memref<!tpu.dma_semaphore, #tpu.memory_space<semaphore_mem>>)
      %dma_wait3A = arith.constant 0 : i32
      %dma_wait3A_36 = arith.constant 0 : i32
      %dma_wait3A_37 = tpu.memref_slice %arg4[%add3A, %dma_wait3A, %dma_wait3A_36] : memref<32x79x128xi32, #tpu.memory_space<hbm>> -> memref<1x79x128xi32, #tpu.memory_space<hbm>>
      %dma_wait3A_38 = tpu.memref_squeeze %dma_wait3A_37 : memref<1x79x128xi32, #tpu.memory_space<hbm>> -> memref<79x128xi32, #tpu.memory_space<hbm>>
      %dma_wait3A_39 = arith.constant 0 : i32
      %dma_wait3A_40 = arith.constant 0 : i32
      %dma_wait3A_41 = tpu.memref_slice %arg4[%add3A, %dma_wait3A_39, %dma_wait3A_40] : memref<32x79x128xi32, #tpu.memory_space<hbm>> -> memref<1x79x128xi32, #tpu.memory_space<hbm>>
      %dma_wait3A_42 = tpu.memref_squeeze %dma_wait3A_41 : memref<1x79x128xi32, #tpu.memory_space<hbm>> -> memref<79x128xi32, #tpu.memory_space<hbm>>
      tpu.wait_dma2 semaphore(%run_scoped3A : memref<!tpu.dma_semaphore, #tpu.memory_space<semaphore_mem>>) src(%dma_wait3A_42 : memref<79x128xi32, #tpu.memory_space<hbm>>) dst(%arg10 : memref<79x128xi32, #tpu.memory_space<vmem>>)
      tpu.yield
    }) : () -> ()
    "tpu.region"() ({
      %run_scoped3A = tpu.sem_alloc : memref<!tpu.dma_semaphore, #tpu.memory_space<semaphore_mem>>
      tpu.enqueue_dma source(%arg5 : memref<64x128xf32, #tpu.memory_space<hbm>>) target(%arg12 : memref<64x128xf32, #tpu.memory_space<vmem>>) target_semaphore(%run_scoped3A : memref<!tpu.dma_semaphore, #tpu.memory_space<semaphore_mem>>)
      tpu.wait_dma2 semaphore(%run_scoped3A : memref<!tpu.dma_semaphore, #tpu.memory_space<semaphore_mem>>) src(%arg5 : memref<64x128xf32, #tpu.memory_space<hbm>>) dst(%arg12 : memref<64x128xf32, #tpu.memory_space<vmem>>)
      tpu.yield
    }) : () -> ()
    %scan3A = arith.constant 0 : i32
    %scan3A_1 = arith.constant 0 : i32
    %scan3A_2 = arith.constant 10 : i32
    %scan3A_3 = arith.addi %scan3A_1, %scan3A_2 : i32
    %scan3A_4 = arith.constant 1 : i32
    scf.for %scan3A_29 = %scan3A_1 to %scan3A_3 step %scan3A_4  : i32 {
      %mul3A_30 = arith.constant 640 : i32
      %mul3A_31 = arith.muli %arg1, %mul3A_30 : i32
      %mul3A_32 = arith.constant 64 : i32
      %mul3A_33 = arith.muli %scan3A_29, %mul3A_32 : i32
      %add3A_34 = arith.addi %mul3A_31, %mul3A_33 : i32
      "tpu.region"() ({
        %run_scoped3A = tpu.sem_alloc : memref<!tpu.dma_semaphore, #tpu.memory_space<semaphore_mem>>
        %dma_start3A = arith.constant 0 : i32
        %dma_start3A_35 = tpu.memref_slice %arg13[%add3A_34, %dma_start3A] : memref<10240x128xf32, #tpu.memory_space<vmem_shared>> -> memref<64x128xf32, #tpu.memory_space<vmem_shared>>
        %dma_start3A_36 = arith.constant 0 : i32
        %dma_start3A_37 = tpu.memref_slice %arg13[%add3A_34, %dma_start3A_36] : memref<10240x128xf32, #tpu.memory_space<vmem_shared>> -> memref<64x128xf32, #tpu.memory_space<vmem_shared>>
        tpu.enqueue_dma source(%arg12 : memref<64x128xf32, #tpu.memory_space<vmem>>) target(%dma_start3A_37 : memref<64x128xf32, #tpu.memory_space<vmem_shared>>) target_semaphore(%run_scoped3A : memref<!tpu.dma_semaphore, #tpu.memory_space<semaphore_mem>>)
        %dma_wait3A = arith.constant 0 : i32
        %dma_wait3A_38 = tpu.memref_slice %arg13[%add3A_34, %dma_wait3A] : memref<10240x128xf32, #tpu.memory_space<vmem_shared>> -> memref<64x128xf32, #tpu.memory_space<vmem_shared>>
        %dma_wait3A_39 = arith.constant 0 : i32
        %dma_wait3A_40 = tpu.memref_slice %arg13[%add3A_34, %dma_wait3A_39] : memref<10240x128xf32, #tpu.memory_space<vmem_shared>> -> memref<64x128xf32, #tpu.memory_space<vmem_shared>>
        tpu.wait_dma2 semaphore(%run_scoped3A : memref<!tpu.dma_semaphore, #tpu.memory_space<semaphore_mem>>) src(%arg12 : memref<64x128xf32, #tpu.memory_space<vmem>>) dst(%dma_wait3A_40 : memref<64x128xf32, #tpu.memory_space<vmem_shared>>)
        tpu.yield
      }) : () -> ()
    }
    %scan3A_5 = arith.constant 10 : i32
    "tpu.region"() ({
      %run_scoped3A = tpu.sem_alloc : memref<!tpu.dma_semaphore, #tpu.memory_space<semaphore_mem>>
      tpu.enqueue_dma source(%arg6 : memref<128xf32, #tpu.memory_space<hbm>>) target(%arg16 : memref<128xf32, #tpu.memory_space<vmem>>) target_semaphore(%run_scoped3A : memref<!tpu.dma_semaphore, #tpu.memory_space<semaphore_mem>>)
      tpu.wait_dma2 semaphore(%run_scoped3A : memref<!tpu.dma_semaphore, #tpu.memory_space<semaphore_mem>>) src(%arg6 : memref<128xf32, #tpu.memory_space<hbm>>) dst(%arg16 : memref<128xf32, #tpu.memory_space<vmem>>)
      tpu.yield
    }) : () -> ()
    %scan3A_6 = arith.constant 0 : i32
    %scan3A_7 = arith.constant 0 : i32
    %scan3A_8 = arith.constant 40 : i32
    %scan3A_9 = arith.addi %scan3A_7, %scan3A_8 : i32
    %scan3A_10 = arith.constant 1 : i32
    scf.for %scan3A_29 = %scan3A_7 to %scan3A_9 step %scan3A_10  : i32 {
      %broadcast_in_dim3A = arith.constant 0.000000e+00 : f32
      %broadcast_in_dim3A_30 = vector.broadcast %broadcast_in_dim3A : f32 to vector<16xf32>
      %mul3A_31 = arith.constant 16 : i32
      %mul3A_32 = arith.muli %scan3A_29, %mul3A_31 : i32
      %swap3A = arith.index_cast %mul3A_32 : i32 to index
      %swap3A_33 = tpu.vector_load %arg17[%swap3A] {strides = array<i32>} : memref<640xf32, #tpu.memory_space<vmem>>, vector<16xf32>,
      %swap3A_34 = vector.shape_cast %swap3A_33 : vector<16xf32> to vector<16xf32>
      %swap3A_35 = vector.shape_cast %broadcast_in_dim3A_30 : vector<16xf32> to vector<16xf32>
      tpu.vector_store %arg17[%swap3A], %swap3A_35 {strides = array<i32>} : memref<640xf32, #tpu.memory_space<vmem>>, vector<16xf32>,
    }
    %scan3A_11 = arith.constant 40 : i32
    %mul3A_12 = arith.constant 640 : i32
    %mul3A_13 = arith.muli %arg1, %mul3A_12 : i32
    "tpu.region"() ({
      %run_scoped3A = tpu.sem_alloc : memref<!tpu.dma_semaphore, #tpu.memory_space<semaphore_mem>>
      %dma_start3A = tpu.memref_slice %arg18[%mul3A_13] : memref<10240xf32, #tpu.memory_space<vmem_shared>> -> memref<640xf32, #tpu.memory_space<vmem_shared>>
      %dma_start3A_29 = tpu.memref_slice %arg18[%mul3A_13] : memref<10240xf32, #tpu.memory_space<vmem_shared>> -> memref<640xf32, #tpu.memory_space<vmem_shared>>
      tpu.enqueue_dma source(%arg17 : memref<640xf32, #tpu.memory_space<vmem>>) target(%dma_start3A_29 : memref<640xf32, #tpu.memory_space<vmem_shared>>) target_semaphore(%run_scoped3A : memref<!tpu.dma_semaphore, #tpu.memory_space<semaphore_mem>>)
      %dma_wait3A = tpu.memref_slice %arg18[%mul3A_13] : memref<10240xf32, #tpu.memory_space<vmem_shared>> -> memref<640xf32, #tpu.memory_space<vmem_shared>>
      %dma_wait3A_30 = tpu.memref_slice %arg18[%mul3A_13] : memref<10240xf32, #tpu.memory_space<vmem_shared>> -> memref<640xf32, #tpu.memory_space<vmem_shared>>
      tpu.wait_dma2 semaphore(%run_scoped3A : memref<!tpu.dma_semaphore, #tpu.memory_space<semaphore_mem>>) src(%arg17 : memref<640xf32, #tpu.memory_space<vmem>>) dst(%dma_wait3A_30 : memref<640xf32, #tpu.memory_space<vmem_shared>>)
      tpu.yield
    }) : () -> ()
    %barrier3A = arith.constant 0 : index
    tpu.barrier barrier_id(%barrier3A)
    %scan3A_14 = arith.constant 0 : i32
    %scan3A_15 = arith.constant 0 : i32
    %scan3A_16 = arith.constant 79 : i32
    %scan3A_17 = arith.addi %scan3A_15, %scan3A_16 : i32
    %scan3A_18 = arith.constant 1 : i32
    scf.for %scan3A_29 = %scan3A_15 to %scan3A_17 step %scan3A_18  : i32 {
      %dma_start3A = arith.constant 0 : i32
      %dma_start3A_30 = tpu.memref_slice %arg9[%scan3A_29, %dma_start3A] : memref<79x128xi32, #tpu.memory_space<vmem>> -> memref<1x128xi32, #tpu.memory_space<vmem>>
      %dma_start3A_31 = tpu.memref_squeeze %dma_start3A_30 : memref<1x128xi32, #tpu.memory_space<vmem>> -> memref<128xi32, #tpu.memory_space<vmem>>
      %dma_start3A_32 = arith.constant 0 : i32
      %dma_start3A_33 = arith.constant 0 : i32
      %dma_start3A_34 = tpu.memref_slice %arg2[%dma_start3A_32, %dma_start3A_33] : memref<10000x128xf32, #tpu.memory_space<hbm>> -> memref<10000x128xf32, #tpu.memory_space<hbm>>
      tpu.enqueue_indirect_dma source(%dma_start3A_34 : memref<10000x128xf32, #tpu.memory_space<hbm>>) target(%arg11 : memref<128x128xf32, #tpu.memory_space<vmem>>) offsets(%dma_start3A_31 : memref<128xi32, #tpu.memory_space<vmem>>) semaphore(%arg14 : memref<!tpu.dma_semaphore, #tpu.memory_space<semaphore_mem>>)
      %dma_wait3A = arith.constant 0 : i32
      %dma_wait3A_35 = tpu.memref_slice %arg9[%scan3A_29, %dma_wait3A] : memref<79x128xi32, #tpu.memory_space<vmem>> -> memref<1x128xi32, #tpu.memory_space<vmem>>
      %dma_wait3A_36 = tpu.memref_squeeze %dma_wait3A_35 : memref<1x128xi32, #tpu.memory_space<vmem>> -> memref<128xi32, #tpu.memory_space<vmem>>
      %dma_wait3A_37 = arith.constant 0 : i32
      %dma_wait3A_38 = arith.constant 0 : i32
      %dma_wait3A_39 = tpu.memref_slice %arg2[%dma_wait3A_37, %dma_wait3A_38] : memref<10000x128xf32, #tpu.memory_space<hbm>> -> memref<10000x128xf32, #tpu.memory_space<hbm>>
      tpu.wait_indirect_dma semaphore(%arg14 : memref<!tpu.dma_semaphore, #tpu.memory_space<semaphore_mem>>) src(%dma_wait3A_39 : memref<10000x128xf32, #tpu.memory_space<hbm>>) dst(%arg11 : memref<128x128xf32, #tpu.memory_space<vmem>>)
      %dma_start3A_40 = arith.constant 0 : i32
      %dma_start3A_41 = tpu.memref_slice %arg10[%scan3A_29, %dma_start3A_40] : memref<79x128xi32, #tpu.memory_space<vmem>> -> memref<1x128xi32, #tpu.memory_space<vmem>>
      %dma_start3A_42 = tpu.memref_squeeze %dma_start3A_41 : memref<1x128xi32, #tpu.memory_space<vmem>> -> memref<128xi32, #tpu.memory_space<vmem>>
      %dma_start3A_43 = arith.constant 0 : i32
      %dma_start3A_44 = arith.constant 0 : i32
      %dma_start3A_45 = tpu.memref_slice %arg13[%dma_start3A_43, %dma_start3A_44] : memref<10240x128xf32, #tpu.memory_space<vmem_shared>> -> memref<10240x128xf32, #tpu.memory_space<vmem_shared>>
      tpu.enqueue_indirect_dma source(%arg11 : memref<128x128xf32, #tpu.memory_space<vmem>>) target(%dma_start3A_45 : memref<10240x128xf32, #tpu.memory_space<vmem_shared>>) offsets(%dma_start3A_42 : memref<128xi32, #tpu.memory_space<vmem>>) semaphore(%arg15 : memref<!tpu.dma_semaphore, #tpu.memory_space<semaphore_mem>>) {add = true}
      %dma_start3A_46 = arith.constant 0 : i32
      %dma_start3A_47 = tpu.memref_slice %arg10[%scan3A_29, %dma_start3A_46] : memref<79x128xi32, #tpu.memory_space<vmem>> -> memref<1x128xi32, #tpu.memory_space<vmem>>
      %dma_start3A_48 = tpu.memref_squeeze %dma_start3A_47 : memref<1x128xi32, #tpu.memory_space<vmem>> -> memref<128xi32, #tpu.memory_space<vmem>>
      %dma_start3A_49 = arith.constant 0 : i32
      %dma_start3A_50 = tpu.memref_slice %arg18[%dma_start3A_49] : memref<10240xf32, #tpu.memory_space<vmem_shared>> -> memref<10240xf32, #tpu.memory_space<vmem_shared>>
      tpu.enqueue_indirect_dma source(%arg16 : memref<128xf32, #tpu.memory_space<vmem>>) target(%dma_start3A_50 : memref<10240xf32, #tpu.memory_space<vmem_shared>>) offsets(%dma_start3A_48 : memref<128xi32, #tpu.memory_space<vmem>>) semaphore(%arg19 : memref<!tpu.dma_semaphore, #tpu.memory_space<semaphore_mem>>) {add = true}
      %dma_wait3A_51 = arith.constant 0 : i32
      %dma_wait3A_52 = tpu.memref_slice %arg10[%scan3A_29, %dma_wait3A_51] : memref<79x128xi32, #tpu.memory_space<vmem>> -> memref<1x128xi32, #tpu.memory_space<vmem>>
      %dma_wait3A_53 = tpu.memref_squeeze %dma_wait3A_52 : memref<1x128xi32, #tpu.memory_space<vmem>> -> memref<128xi32, #tpu.memory_space<vmem>>
      %dma_wait3A_54 = arith.constant 0 : i32
      %dma_wait3A_55 = tpu.memref_slice %arg18[%dma_wait3A_54] : memref<10240xf32, #tpu.memory_space<vmem_shared>> -> memref<10240xf32, #tpu.memory_space<vmem_shared>>
      tpu.wait_indirect_dma semaphore(%arg19 : memref<!tpu.dma_semaphore, #tpu.memory_space<semaphore_mem>>) src(%arg16 : memref<128xf32, #tpu.memory_space<vmem>>) dst(%dma_wait3A_55 : memref<10240xf32, #tpu.memory_space<vmem_shared>>)
      %dma_wait3A_56 = arith.constant 0 : i32
      %dma_wait3A_57 = tpu.memref_slice %arg10[%scan3A_29, %dma_wait3A_56] : memref<79x128xi32, #tpu.memory_space<vmem>> -> memref<1x128xi32, #tpu.memory_space<vmem>>
      %dma_wait3A_58 = tpu.memref_squeeze %dma_wait3A_57 : memref<1x128xi32, #tpu.memory_space<vmem>> -> memref<128xi32, #tpu.memory_space<vmem>>
      %dma_wait3A_59 = arith.constant 0 : i32
      %dma_wait3A_60 = arith.constant 0 : i32
      %dma_wait3A_61 = tpu.memref_slice %arg13[%dma_wait3A_59, %dma_wait3A_60] : memref<10240x128xf32, #tpu.memory_space<vmem_shared>> -> memref<10240x128xf32, #tpu.memory_space<vmem_shared>>
      tpu.wait_indirect_dma semaphore(%arg15 : memref<!tpu.dma_semaphore, #tpu.memory_space<semaphore_mem>>) src(%arg11 : memref<128x128xf32, #tpu.memory_space<vmem>>) dst(%dma_wait3A_61 : memref<10240x128xf32, #tpu.memory_space<vmem_shared>>)
    }
    %scan3A_19 = arith.constant 79 : i32
    %barrier3A_20 = arith.constant 0 : index
    tpu.barrier barrier_id(%barrier3A_20)
    %mul3A_21 = arith.constant 640 : i32
    %mul3A_22 = arith.muli %arg1, %mul3A_21 : i32
    %mul3A_23 = arith.constant 640 : i32
    %mul3A_24 = arith.muli %arg1, %mul3A_23 : i32
    "tpu.region"() ({
      %run_scoped3A = tpu.sem_alloc : memref<!tpu.dma_semaphore, #tpu.memory_space<semaphore_mem>>
      %dma_start3A = arith.constant 0 : i32
      %dma_start3A_29 = tpu.memref_slice %arg7[%arg0, %mul3A_24, %dma_start3A] : memref<2x10240x128xf32, #tpu.memory_space<hbm>> -> memref<1x640x128xf32, #tpu.memory_space<hbm>>
      %dma_start3A_30 = tpu.memref_squeeze %dma_start3A_29 : memref<1x640x128xf32, #tpu.memory_space<hbm>> -> memref<640x128xf32, #tpu.memory_space<hbm>>
      %dma_start3A_31 = arith.constant 0 : i32
      %dma_start3A_32 = tpu.memref_slice %arg13[%mul3A_22, %dma_start3A_31] : memref<10240x128xf32, #tpu.memory_space<vmem_shared>> -> memref<640x128xf32, #tpu.memory_space<vmem_shared>>
      tpu.enqueue_dma source(%dma_start3A_32 : memref<640x128xf32, #tpu.memory_space<vmem_shared>>) target(%dma_start3A_30 : memref<640x128xf32, #tpu.memory_space<hbm>>) target_semaphore(%run_scoped3A : memref<!tpu.dma_semaphore, #tpu.memory_space<semaphore_mem>>)
      %dma_wait3A = arith.constant 0 : i32
      %dma_wait3A_33 = tpu.memref_slice %arg7[%arg0, %mul3A_24, %dma_wait3A] : memref<2x10240x128xf32, #tpu.memory_space<hbm>> -> memref<1x640x128xf32, #tpu.memory_space<hbm>>
      %dma_wait3A_34 = tpu.memref_squeeze %dma_wait3A_33 : memref<1x640x128xf32, #tpu.memory_space<hbm>> -> memref<640x128xf32, #tpu.memory_space<hbm>>
      %dma_wait3A_35 = arith.constant 0 : i32
      %dma_wait3A_36 = tpu.memref_slice %arg13[%mul3A_22, %dma_wait3A_35] : memref<10240x128xf32, #tpu.memory_space<vmem_shared>> -> memref<640x128xf32, #tpu.memory_space<vmem_shared>>
      tpu.wait_dma2 semaphore(%run_scoped3A : memref<!tpu.dma_semaphore, #tpu.memory_space<semaphore_mem>>) src(%dma_wait3A_36 : memref<640x128xf32, #tpu.memory_space<vmem_shared>>) dst(%dma_wait3A_34 : memref<640x128xf32, #tpu.memory_space<hbm>>)
      tpu.yield
    }) : () -> ()
    %mul3A_25 = arith.constant 640 : i32
    %mul3A_26 = arith.muli %arg1, %mul3A_25 : i32
    %mul3A_27 = arith.constant 640 : i32
    %mul3A_28 = arith.muli %arg1, %mul3A_27 : i32
    "tpu.region"() ({
      %run_scoped3A = tpu.sem_alloc : memref<!tpu.dma_semaphore, #tpu.memory_space<semaphore_mem>>
      %dma_start3A = tpu.memref_slice %arg8[%arg0, %mul3A_28] : memref<2x10240xf32, #tpu.memory_space<hbm>> -> memref<1x640xf32, #tpu.memory_space<hbm>>
      %dma_start3A_29 = tpu.memref_squeeze %dma_start3A : memref<1x640xf32, #tpu.memory_space<hbm>> -> memref<640xf32, #tpu.memory_space<hbm>>
      %dma_start3A_30 = tpu.memref_slice %arg18[%mul3A_26] : memref<10240xf32, #tpu.memory_space<vmem_shared>> -> memref<640xf32, #tpu.memory_space<vmem_shared>>
      tpu.enqueue_dma source(%dma_start3A_30 : memref<640xf32, #tpu.memory_space<vmem_shared>>) target(%dma_start3A_29 : memref<640xf32, #tpu.memory_space<hbm>>) target_semaphore(%run_scoped3A : memref<!tpu.dma_semaphore, #tpu.memory_space<semaphore_mem>>)
      %dma_wait3A = tpu.memref_slice %arg8[%arg0, %mul3A_28] : memref<2x10240xf32, #tpu.memory_space<hbm>> -> memref<1x640xf32, #tpu.memory_space<hbm>>
      %dma_wait3A_31 = tpu.memref_squeeze %dma_wait3A : memref<1x640xf32, #tpu.memory_space<hbm>> -> memref<640xf32, #tpu.memory_space<hbm>>
      %dma_wait3A_32 = tpu.memref_slice %arg18[%mul3A_26] : memref<10240xf32, #tpu.memory_space<vmem_shared>> -> memref<640xf32, #tpu.memory_space<vmem_shared>>
      tpu.wait_dma2 semaphore(%run_scoped3A : memref<!tpu.dma_semaphore, #tpu.memory_space<semaphore_mem>>) src(%dma_wait3A_32 : memref<640xf32, #tpu.memory_space<vmem_shared>>) dst(%dma_wait3A_31 : memref<640xf32, #tpu.memory_space<hbm>>)
      tpu.yield
    }) : () -> ()
    return
  }
}

module attributes {stable_mosaic.version = 14 : i64} {
  func.func @_tc0_body(%arg0: memref<2x10240x128xf32, #tpu.memory_space<vmem>>, %arg1: memref<2x10240x1xf32, #tpu.memory_space<vmem>>, %arg2: memref<10000x128xf32, #tpu.memory_space<vmem>>, %arg3: memref<128x128xf32, #tpu.memory_space<vmem>>, %arg4: memref<1x128xf32, #tpu.memory_space<vmem>>, %arg5: memref<128x128xf32, #tpu.memory_space<vmem>>, %arg6: memref<128x128xf32, #tpu.memory_space<vmem>>, %arg7: memref<1x128xf32, #tpu.memory_space<vmem>>, %arg8: memref<10000x128xf32, #tpu.memory_space<vmem>>) attributes {dimension_semantics = [], scalar_prefetch = 0 : i64, scratch_operands = 0 : i64, tpu.core_type = #tpu.core_type<tc>} {
    %get3A = arith.constant 0 : index
    %get3A_0 = arith.constant 0 : index
    %get3A_1 = arith.constant 0 : index
    %get3A_2 = vector.load %arg0[%get3A, %get3A_0, %get3A_1] : memref<2x10240x128xf32, #tpu.memory_space<vmem>>, vector<1x10000x128xf32>
    %get3A_3 = vector.shape_cast %get3A_2 : vector<1x10000x128xf32> to vector<10000x128xf32>
    %get3A_4 = arith.constant 1 : index
    %get3A_5 = arith.constant 0 : index
    %get3A_6 = arith.constant 0 : index
    %get3A_7 = vector.load %arg0[%get3A_4, %get3A_5, %get3A_6] : memref<2x10240x128xf32, #tpu.memory_space<vmem>>, vector<1x10000x128xf32>
    %get3A_8 = vector.shape_cast %get3A_7 : vector<1x10000x128xf32> to vector<10000x128xf32>
    %add3A = arith.addf %get3A_3, %get3A_8 : vector<10000x128xf32>
    %get3A_9 = arith.constant 0 : index
    %get3A_10 = arith.constant 0 : index
    %get3A_11 = arith.constant 0 : index
    %get3A_12 = vector.load %arg1[%get3A_9, %get3A_10, %get3A_11] : memref<2x10240x1xf32, #tpu.memory_space<vmem>>, vector<1x10000x1xf32>
    %get3A_13 = vector.shape_cast %get3A_12 : vector<1x10000x1xf32> to vector<10000x1xf32>
    %get3A_14 = arith.constant 1 : index
    %get3A_15 = arith.constant 0 : index
    %get3A_16 = arith.constant 0 : index
    %get3A_17 = vector.load %arg1[%get3A_14, %get3A_15, %get3A_16] : memref<2x10240x1xf32, #tpu.memory_space<vmem>>, vector<1x10000x1xf32>
    %get3A_18 = vector.shape_cast %get3A_17 : vector<1x10000x1xf32> to vector<10000x1xf32>
    %add3A_19 = arith.addf %get3A_13, %get3A_18 : vector<10000x1xf32>
    %max3A = arith.constant 1.000000e+00 : f32
    %max3A_20 = vector.broadcast %max3A : f32 to vector<10000x1xf32>
    %max3A_21 = arith.maximumf %add3A_19, %max3A_20 : vector<10000x1xf32>
    %div3A = vector.broadcast %max3A_21 : vector<10000x1xf32> to vector<10000x128xf32>
    %div3A_22 = arith.divf %add3A, %div3A : vector<10000x128xf32>
    %get3A_23 = arith.constant 0 : index
    %get3A_24 = arith.constant 0 : index
    %get3A_25 = vector.load %arg3[%get3A_23, %get3A_24] : memref<128x128xf32, #tpu.memory_space<vmem>>, vector<128x128xf32>
    %dot_general3A = arith.constant dense<0.000000e+00> : vector<10000x128xf32>
    %dot_general3A_26 = tpu.matmul %div3A_22, %get3A_25, %dot_general3A {dimension_numbers = #tpu.dot_dimension_numbers<[1], [1], [0], [0], [0, 0, 1, 0], [], []>, transpose_lhs_hint = false} : vector<10000x128xf32>, vector<128x128xf32>, vector<10000x128xf32> -> vector<10000x128xf32>
    %get3A_27 = arith.constant 0 : index
    %get3A_28 = arith.constant 0 : index
    %get3A_29 = vector.load %arg4[%get3A_27, %get3A_28] : memref<1x128xf32, #tpu.memory_space<vmem>>, vector<1x128xf32>
    %add3A_30 = vector.broadcast %get3A_29 : vector<1x128xf32> to vector<10000x128xf32>
    %add3A_31 = arith.addf %dot_general3A_26, %add3A_30 : vector<10000x128xf32>
    %get3A_32 = arith.constant 0 : index
    %get3A_33 = arith.constant 0 : index
    %get3A_34 = vector.load %arg2[%get3A_32, %get3A_33] : memref<10000x128xf32, #tpu.memory_space<vmem>>, vector<10000x128xf32>
    %get3A_35 = arith.constant 0 : index
    %get3A_36 = arith.constant 0 : index
    %get3A_37 = vector.load %arg5[%get3A_35, %get3A_36] : memref<128x128xf32, #tpu.memory_space<vmem>>, vector<128x128xf32>
    %dot_general3A_38 = arith.constant dense<0.000000e+00> : vector<10000x128xf32>
    %dot_general3A_39 = tpu.matmul %get3A_34, %get3A_37, %dot_general3A_38 {dimension_numbers = #tpu.dot_dimension_numbers<[1], [1], [0], [0], [0, 0, 1, 0], [], []>, transpose_lhs_hint = false} : vector<10000x128xf32>, vector<128x128xf32>, vector<10000x128xf32> -> vector<10000x128xf32>
    %add3A_40 = arith.addf %add3A_31, %dot_general3A_39 : vector<10000x128xf32>
    %max3A_41 = arith.constant 0.000000e+00 : f32
    %max3A_42 = vector.broadcast %max3A_41 : f32 to vector<10000x128xf32>
    %max3A_43 = arith.maximumf %add3A_40, %max3A_42 : vector<10000x128xf32>
    %get3A_44 = arith.constant 0 : index
    %get3A_45 = arith.constant 0 : index
    %get3A_46 = vector.load %arg6[%get3A_44, %get3A_45] : memref<128x128xf32, #tpu.memory_space<vmem>>, vector<128x128xf32>
    %dot_general3A_47 = arith.constant dense<0.000000e+00> : vector<10000x128xf32>
    %dot_general3A_48 = tpu.matmul %max3A_43, %get3A_46, %dot_general3A_47 {dimension_numbers = #tpu.dot_dimension_numbers<[1], [1], [0], [0], [0, 0, 1, 0], [], []>, transpose_lhs_hint = false} : vector<10000x128xf32>, vector<128x128xf32>, vector<10000x128xf32> -> vector<10000x128xf32>
    %get3A_49 = arith.constant 0 : index
    %get3A_50 = arith.constant 0 : index
    %get3A_51 = vector.load %arg7[%get3A_49, %get3A_50] : memref<1x128xf32, #tpu.memory_space<vmem>>, vector<1x128xf32>
    %add3A_52 = vector.broadcast %get3A_51 : vector<1x128xf32> to vector<10000x128xf32>
    %add3A_53 = arith.addf %dot_general3A_48, %add3A_52 : vector<10000x128xf32>
    %max3A_54 = arith.constant 0.000000e+00 : f32
    %max3A_55 = vector.broadcast %max3A_54 : f32 to vector<10000x128xf32>
    %max3A_56 = arith.maximumf %add3A_53, %max3A_55 : vector<10000x128xf32>
    %swap3A = arith.constant 0 : index
    %swap3A_57 = arith.constant 0 : index
    %swap3A_58 = vector.load %arg8[%swap3A, %swap3A_57] : memref<10000x128xf32, #tpu.memory_space<vmem>>, vector<10000x128xf32>
    tpu.vector_store %arg8[%swap3A, %swap3A_57], %max3A_56 {strides = array<i32>} : memref<10000x128xf32, #tpu.memory_space<vmem>>, vector<10000x128xf32>,
    return
  }
}

module attributes {stable_mosaic.version = 14 : i64} {
  func.func @_tc1_body(%arg0: memref<2x10240x128xf32, #tpu.memory_space<vmem>>, %arg1: memref<2x10240x1xf32, #tpu.memory_space<vmem>>, %arg2: memref<10000x128xf32, #tpu.memory_space<vmem>>, %arg3: memref<1x10000xi32, #tpu.memory_space<vmem>>, %arg4: memref<128x128xf32, #tpu.memory_space<vmem>>, %arg5: memref<1x128xf32, #tpu.memory_space<vmem>>, %arg6: memref<128x128xf32, #tpu.memory_space<vmem>>, %arg7: memref<8x128xf32, #tpu.memory_space<vmem>>, %arg8: memref<1x8xf32, #tpu.memory_space<vmem>>, %arg9: memref<32x8xf32, #tpu.memory_space<vmem>>) attributes {dimension_semantics = [], scalar_prefetch = 0 : i64, scratch_operands = 0 : i64, tpu.core_type = #tpu.core_type<tc>} {
    %get3A = arith.constant 0 : index
    %get3A_0 = arith.constant 0 : index
    %get3A_1 = arith.constant 0 : index
    %get3A_2 = vector.load %arg0[%get3A, %get3A_0, %get3A_1] : memref<2x10240x128xf32, #tpu.memory_space<vmem>>, vector<1x10000x128xf32>
    %get3A_3 = vector.shape_cast %get3A_2 : vector<1x10000x128xf32> to vector<10000x128xf32>
    %get3A_4 = arith.constant 1 : index
    %get3A_5 = arith.constant 0 : index
    %get3A_6 = arith.constant 0 : index
    %get3A_7 = vector.load %arg0[%get3A_4, %get3A_5, %get3A_6] : memref<2x10240x128xf32, #tpu.memory_space<vmem>>, vector<1x10000x128xf32>
    %get3A_8 = vector.shape_cast %get3A_7 : vector<1x10000x128xf32> to vector<10000x128xf32>
    %add3A = arith.addf %get3A_3, %get3A_8 : vector<10000x128xf32>
    %get3A_9 = arith.constant 0 : index
    %get3A_10 = arith.constant 0 : index
    %get3A_11 = arith.constant 0 : index
    %get3A_12 = vector.load %arg1[%get3A_9, %get3A_10, %get3A_11] : memref<2x10240x1xf32, #tpu.memory_space<vmem>>, vector<1x10000x1xf32>
    %get3A_13 = vector.shape_cast %get3A_12 : vector<1x10000x1xf32> to vector<10000x1xf32>
    %get3A_14 = arith.constant 1 : index
    %get3A_15 = arith.constant 0 : index
    %get3A_16 = arith.constant 0 : index
    %get3A_17 = vector.load %arg1[%get3A_14, %get3A_15, %get3A_16] : memref<2x10240x1xf32, #tpu.memory_space<vmem>>, vector<1x10000x1xf32>
    %get3A_18 = vector.shape_cast %get3A_17 : vector<1x10000x1xf32> to vector<10000x1xf32>
    %add3A_19 = arith.addf %get3A_13, %get3A_18 : vector<10000x1xf32>
    %max3A = arith.constant 1.000000e+00 : f32
    %max3A_20 = vector.broadcast %max3A : f32 to vector<10000x1xf32>
    %max3A_21 = arith.maximumf %add3A_19, %max3A_20 : vector<10000x1xf32>
    %div3A = vector.broadcast %max3A_21 : vector<10000x1xf32> to vector<10000x128xf32>
    %div3A_22 = arith.divf %add3A, %div3A : vector<10000x128xf32>
    %get3A_23 = arith.constant 0 : index
    %get3A_24 = arith.constant 0 : index
    %get3A_25 = vector.load %arg4[%get3A_23, %get3A_24] : memref<128x128xf32, #tpu.memory_space<vmem>>, vector<128x128xf32>
    %dot_general3A = arith.constant dense<0.000000e+00> : vector<10000x128xf32>
    %dot_general3A_26 = tpu.matmul %div3A_22, %get3A_25, %dot_general3A {dimension_numbers = #tpu.dot_dimension_numbers<[1], [1], [0], [0], [0, 0, 1, 0], [], []>, transpose_lhs_hint = false} : vector<10000x128xf32>, vector<128x128xf32>, vector<10000x128xf32> -> vector<10000x128xf32>
    %get3A_27 = arith.constant 0 : index
    %get3A_28 = arith.constant 0 : index
    %get3A_29 = vector.load %arg5[%get3A_27, %get3A_28] : memref<1x128xf32, #tpu.memory_space<vmem>>, vector<1x128xf32>
    %add3A_30 = vector.broadcast %get3A_29 : vector<1x128xf32> to vector<10000x128xf32>
    %add3A_31 = arith.addf %dot_general3A_26, %add3A_30 : vector<10000x128xf32>
    %get3A_32 = arith.constant 0 : index
    %get3A_33 = arith.constant 0 : index
    %get3A_34 = vector.load %arg2[%get3A_32, %get3A_33] : memref<10000x128xf32, #tpu.memory_space<vmem>>, vector<10000x128xf32>
    %get3A_35 = arith.constant 0 : index
    %get3A_36 = arith.constant 0 : index
    %get3A_37 = vector.load %arg6[%get3A_35, %get3A_36] : memref<128x128xf32, #tpu.memory_space<vmem>>, vector<128x128xf32>
    %dot_general3A_38 = arith.constant dense<0.000000e+00> : vector<10000x128xf32>
    %dot_general3A_39 = tpu.matmul %get3A_34, %get3A_37, %dot_general3A_38 {dimension_numbers = #tpu.dot_dimension_numbers<[1], [1], [0], [0], [0, 0, 1, 0], [], []>, transpose_lhs_hint = false} : vector<10000x128xf32>, vector<128x128xf32>, vector<10000x128xf32> -> vector<10000x128xf32>
    %add3A_40 = arith.addf %add3A_31, %dot_general3A_39 : vector<10000x128xf32>
    %max3A_41 = arith.constant 0.000000e+00 : f32
    %max3A_42 = vector.broadcast %max3A_41 : f32 to vector<10000x128xf32>
    %max3A_43 = arith.maximumf %add3A_40, %max3A_42 : vector<10000x128xf32>
    %iota3A = tpu.iota {dimensions = array<i32: 0>} : vector<32x10000xi32>
    %get3A_44 = arith.constant 0 : index
    %get3A_45 = arith.constant 0 : index
    %get3A_46 = vector.load %arg3[%get3A_44, %get3A_45] : memref<1x10000xi32, #tpu.memory_space<vmem>>, vector<1x10000xi32>
    %eq3A = vector.broadcast %get3A_46 : vector<1x10000xi32> to vector<32x10000xi32>
    %eq3A_47 = arith.cmpi eq, %eq3A, %iota3A : vector<32x10000xi32>
    %convert_element_type3A = arith.extui %eq3A_47 : vector<32x10000xi1> to vector<32x10000xi32>
    %convert_element_type3A_48 = arith.sitofp %convert_element_type3A : vector<32x10000xi32> to vector<32x10000xf32>
    %dot_general3A_49 = arith.constant dense<0.000000e+00> : vector<32x128xf32>
    %dot_general3A_50 = tpu.matmul %convert_element_type3A_48, %max3A_43, %dot_general3A_49 {dimension_numbers = #tpu.dot_dimension_numbers<[1], [0], [0], [1], [0, 0, 1, 1], [], []>, transpose_lhs_hint = false} : vector<32x10000xf32>, vector<10000x128xf32>, vector<32x128xf32> -> vector<32x128xf32>
    %reduce_sum3A = arith.constant dense<0.000000e+00> : vector<32xf32>
    %reduce_sum3A_51 = vector.multi_reduction <add>, %convert_element_type3A_48, %reduce_sum3A [1] : vector<32x10000xf32> to vector<32xf32>
    %broadcast_in_dim3A = vector.shape_cast %reduce_sum3A_51 : vector<32xf32> to vector<32x1xf32>
    %max3A_52 = arith.constant 1.000000e+00 : f32
    %max3A_53 = vector.broadcast %max3A_52 : f32 to vector<32x1xf32>
    %max3A_54 = arith.maximumf %broadcast_in_dim3A, %max3A_53 : vector<32x1xf32>
    %div3A_55 = vector.broadcast %max3A_54 : vector<32x1xf32> to vector<32x128xf32>
    %div3A_56 = arith.divf %dot_general3A_50, %div3A_55 : vector<32x128xf32>
    %get3A_57 = arith.constant 0 : index
    %get3A_58 = arith.constant 0 : index
    %get3A_59 = vector.load %arg7[%get3A_57, %get3A_58] : memref<8x128xf32, #tpu.memory_space<vmem>>, vector<8x128xf32>
    %dot_general3A_60 = arith.constant dense<0.000000e+00> : vector<32x8xf32>
    %dot_general3A_61 = tpu.matmul %div3A_56, %get3A_59, %dot_general3A_60 {dimension_numbers = #tpu.dot_dimension_numbers<[1], [1], [0], [0], [0, 0, 1, 0], [], []>, transpose_lhs_hint = false} : vector<32x128xf32>, vector<8x128xf32>, vector<32x8xf32> -> vector<32x8xf32>
    %get3A_62 = arith.constant 0 : index
    %get3A_63 = arith.constant 0 : index
    %get3A_64 = vector.load %arg8[%get3A_62, %get3A_63] : memref<1x8xf32, #tpu.memory_space<vmem>>, vector<1x8xf32>
    %add3A_65 = vector.broadcast %get3A_64 : vector<1x8xf32> to vector<32x8xf32>
    %add3A_66 = arith.addf %dot_general3A_61, %add3A_65 : vector<32x8xf32>
    %swap3A = arith.constant 0 : index
    %swap3A_67 = arith.constant 0 : index
    %swap3A_68 = vector.load %arg9[%swap3A, %swap3A_67] : memref<32x8xf32, #tpu.memory_space<vmem>>, vector<32x8xf32>
    tpu.vector_store %arg9[%swap3A, %swap3A_67], %add3A_66 {strides = array<i32>} : memref<32x8xf32, #tpu.memory_space<vmem>>, vector<32x8xf32>,
    return
  }
}

</mosaic_0001>

<sc_bundles>
// kernel: kernel.6.cloned.1.call-start
scs
__scs_entry_jumppad:
0x0: {  	(pc) =	sbr.rel $0x88, $3  }
0x1: {  	(tag) =	ssettag $0x0;
	lr =	simm.s32 $0x1  }
0x2: {  	[smem:$0x3F94] =	sst lr;
	_ =	strace $0xD0000000  }
0x3: {  	_ = 	snop  }
0x4: {  	_ = 	snop  }
0x5: {  	_ = 	snop  }
0x6: {  	_ = 	snop  }
0x7: {  	_ = 	snop  }
__scs_overlays_trampoline_lowered:
0x8: {  	[smem:$0x3FA3] =	sst s0  }
0x9: {  	[smem:$0x3FA4] =	sst s1  }
0xa: {  	[smem:$0x3FA5] =	sst s2  }
0xb: {  	[smem:$0x3FA6] =	sst s3  }
0xc: {  	[smem:$0x3FA7] =	sst s4  }
0xd: {  	[smem:$0x3FA8] =	sst s5  }
0xe: {  	[smem:$0x3FA9] =	sst s6  }
0xf: {  	[smem:$0x3FAA] =	sst s7  }
0x10: {  	[smem:$0x3FAB] =	sst s8  }
0x11: {  	[smem:$0x3FAC] =	sst s9;
	s0 =	simm.s32 @!p0 $0x0  }
0x12: {  	s1 =	sld [smem:$0x3F92];
	s0 =	simm.s32 @p0 $0x1  }
0x13: {  	[smem:$0x3FAD] =	sst s0;
	s0 =	simm.s32 @!p1 $0x0  }
0x14: {  	s2 =	sld [smem:$0x3F91];
	s0 =	simm.s32 @p1 $0x1  }
0x15: {  	[smem:$0x3FAE] =	sst s0;
	s0 =	simm.s32 @!p2 $0x0  }
0x16: {  	s3 =	sld [smem:$0x3FDB];
	s0 =	simm.s32 @p2 $0x1  }
0x17: {  	s4 =	simm.s32 $0x1BF5;
	[smem:$0x3FB0] =	sst s0  }
0x18: {  	s0 =	sld [smem:$0x3F93];
	_ =	swait.ge [sflag:s4], $0x0  }
0x19: {  	s7 =	sld [smem:$0x3F94]  }
0x1a: {  	s8 =	sadd.s32 $0xFFFFE003, lr  }
0x1b: {  	s9 =	sadd.s32 $0xFFFFFEF7, lr;
	s5 =	simm.s32 $0xFFFFFFFF;
	p2 =	slt.u32 s8, $0xFFFFF086  }
0x1c: {  	p1 =	slt.u32 s9, $0xF7A;
	s5 =	simm.s32 @!p2 $0x0  }
0x1d: {  	s5 =	simm.s32 @p1 $0x1;
	p0 =	seq.s32 s7, s2  }
0x1e: {  	s7 =	smul.u32 @!p0 $0xF7A, s2;
	p2 =	seq.s32 @!p0 s5, $0x0  }
0x1f: {  	s9 =	smul.u32 $0xF7A, s1;
	s8 =	simm.s32 @!p0 $0x1BF5;
	p2 =	por !p2, p0  }
0x20: {  	[sflag:s8] =	ssyncset.s32 @!p0 $0xFFFFF086;
	s6 =	sadd.s32 @!p0 s3, s7;
	s7 =	simm.s32 @!p0 $0x108  }
0x21: {  	s3 =	sadd.s32 s3, s9;
	s6 =	sadd.s32 @!p0 $0x88, s6;
	s7 =	simm.s32 @p2 $0x1082  }
0x22: {  	[simem:s7], [sflag:s8] =	dma.local @!p0 [hbm:s6], $0xF7A  }
0x23: {  	s9 =	sor.u32 $0xD0000000, s2;
	s6 =	simm.s32 $0x108;
	_ =	swait.ge @!p0 [sflag:s8], $0x0  }
0x24: {  	s3 =	sadd.s32 $0x88, s3;
	s6 =	simm.s32 @!p1 $0x1082;
	[sflag:s4] =	ssyncset.s32 $0xFFFFF086  }
0x25: {  	[simem:s6], [sflag:s4] =	dma.local [hbm:s3], $0xF7A  }
0x26: {  	[smem:$0x3F94] =	sst s1;
	(tag) =	ssettag s2;
	_ =	strace s9  }
0x27: {  	s1 =	sld [smem:$0x3FA4]  }
0x28: {  	s2 =	sld [smem:$0x3FA5]  }
0x29: {  	s4 =	sld [smem:$0x3FA7]  }
0x2a: {  	p0 =	seq.s32 s5, $0x0;
	s5 =	sld [smem:$0x3FA8]  }
0x2b: {  	s6 =	sld [smem:$0x3FA9]  }
0x2c: {  	s7 =	sld [smem:$0x3FAA]  }
0x2d: {  	s3 =	simm.s32 $0x108;
	s8 =	sld [smem:$0x3FAB]  }
0x2e: {  	s3 =	simm.s32 @!p0 $0x1082;
	s9 =	sld [smem:$0x3FAC]  }
0x2f: {  	lr =	sadd.s32 s0, s3;
	s0 =	sld [smem:$0x3FA3]  }
0x30: {  	s3 =	sld [smem:$0x3FA6]  }
0x31: {  	[smem:$0x3FAF] =	sst s10  }
0x32: {  	s10 =	sld [smem:$0x3FAD];
	_ =	sdelay $0x3  }
0x33: {  	p0 =	seq.s32 s10, $0x1;
	s10 =	sld [smem:$0x3FAF];
	_ =	sdelay $0x3  }
0x34: {  	[smem:$0x3FAF] =	sst s10  }
0x35: {  	s10 =	sld [smem:$0x3FAE];
	_ =	sdelay $0x3  }
0x36: {  	p1 =	seq.s32 s10, $0x1;
	s10 =	sld [smem:$0x3FAF];
	_ =	sdelay $0x3  }
0x37: {  	[smem:$0x3FAF] =	sst s10  }
0x38: {  	s10 =	sld [smem:$0x3FB0]  }
0x39: {  	_ = 	snop;
	(pc) =	sbr.ind lr, $3  }
0x3a: {  	_ = 	snop  }
0x3b: {  	_ = 	snop  }
0x3c: {  	p2 =	seq.s32 s10, $0x1;
	s10 =	sld [smem:$0x3FAF]  }
0x3d: {  	_ =	shalt  }
0x3e: {  	_ =	shalt  }
0x3f: {  	_ =	shalt  }
0x40: {  	_ =	shalt  }
0x41: {  	_ =	shalt  }
0x42: {  	_ =	shalt  }
0x43: {  	_ =	shalt  }
0x44: {  	_ =	shalt  }
0x45: {  	_ =	shalt  }
0x46: {  	_ =	shalt  }
0x47: {  	_ =	shalt  }
0x48: {  	_ =	shalt  }
0x49: {  	_ =	shalt  }
0x4a: {  	_ =	shalt  }
0x4b: {  	_ =	shalt  }
0x4c: {  	_ =	shalt  }
0x4d: {  	_ =	shalt  }
0x4e: {  	_ =	shalt  }
0x4f: {  	_ =	shalt  }
0x50: {  	_ =	shalt  }
0x51: {  	_ =	shalt  }
0x52: {  	_ =	shalt  }
0x53: {  	_ =	shalt  }
0x54: {  	_ =	shalt  }
0x55: {  	_ =	shalt  }
0x56: {  	_ =	shalt  }
0x57: {  	_ =	shalt  }
0x58: {  	_ =	shalt  }
0x59: {  	_ =	shalt  }
0x5a: {  	_ =	shalt  }
0x5b: {  	_ =	shalt  }
0x5c: {  	_ =	shalt  }
0x5d: {  	_ =	shalt  }
0x5e: {  	_ =	shalt  }
0x5f: {  	_ =	shalt  }
0x60: {  	_ =	shalt  }
0x61: {  	_ =	shalt  }
0x62: {  	_ =	shalt  }
0x63: {  	_ =	shalt  }
0x64: {  	_ =	shalt  }
0x65: {  	_ =	shalt  }
0x66: {  	_ =	shalt  }
0x67: {  	_ =	shalt  }
0x68: {  	_ =	shalt  }
0x69: {  	_ =	shalt  }
0x6a: {  	_ =	shalt  }
0x6b: {  	_ =	shalt  }
0x6c: {  	_ =	shalt  }
0x6d: {  	_ =	shalt  }
0x6e: {  	_ =	shalt  }
0x6f: {  	_ =	shalt  }
0x70: {  	_ =	shalt  }
0x71: {  	_ =	shalt  }
0x72: {  	_ =	shalt  }
0x73: {  	_ =	shalt  }
0x74: {  	_ =	shalt  }
0x75: {  	_ =	shalt  }
0x76: {  	_ =	shalt  }
0x77: {  	_ =	shalt  }
0x78: {  	_ =	shalt  }
0x79: {  	_ =	shalt  }
0x7a: {  	_ =	shalt  }
0x7b: {  	_ =	shalt  }
0x7c: {  	_ =	shalt  }
0x7d: {  	_ =	shalt  }
0x7e: {  	_ =	shalt  }
0x7f: {  	_ =	shalt  }
0x80: {  	_ =	shalt  }
0x81: {  	_ =	shalt  }
0x82: {  	_ =	shalt  }
0x83: {  	_ =	shalt  }
0x84: {  	_ =	shalt  }
0x85: {  	_ =	shalt  }
0x86: {  	_ =	shalt  }
0x87: {  	_ =	shalt  }
.Lfunc_end0:
.L_simem_size_0:
called_computation_lowered:
.L_overlay_start_0:
0x88: {  	s2 =	sld [smem:$0x3FD9]  }
0x89: {  	s3 =	sld [smem:$0x3FFE];
	_ =	sdelay $0x1  }
0x8a: {  	s1 =	srdreg.scid  }
0x8b: {  	s0 =	sand.u32 $0x1, s1  }
0x8c: {  	s17 =	sshll.u32 s0, $0xA;
	s2 =	sadd.s32 s3, s2  }
0x8d: {  	s2 =	sadd.s32 s2, s17  }
0x8e: {  	[smem:$0x3FBB] =	sst s2  }
0x8f: {  	_ = 	snop  }
0x90: {  	s2 =	sld [smem:$0x3FC9]  }
0x91: {  	s18 =	sld [smem:$0x3FD0];
	(tm) =	ssettm $0x1  }
0x92: {  	s4 =	sld [smem:$0x3FFB];
	_ =	sdelay $0x3  }
0x93: {  	_ =	strace s4  }
0x94: {  	s4 =	sld [smem:$0x3FFC];
	_ =	sdelay $0x3  }
0x95: {  	_ =	strace s4  }
0x96: {  	s4 =	sld [smem:$0x3FFD];
	_ =	sdelay $0x3  }
0x97: {  	_ =	strace s4  }
0x98: {  	_ =	strace $0x8FFFFFFF  }
0x99: {  	s19 =	sld [smem:$0x3FDB];
	_ =	sdelay $0x1  }
0x9a: {  	s5 =	simm.s32 $_scs_section_size  }
0x9b: {  	s6 =	simm.s32 $_size__tile_overlayer_lowered;
	s7 =	simm.s32 $_tile_overlayer_lowered  }
0x9c: {  	s22 =	simm.s32 $0x1BFF;
	s21 =	sshll.u32 s7, $0x1;
	s4 =	sadd.s32 s5, s19  }
0x9d: {  	s8 =	simm.s32 $0x0;
	s20 =	sshll.u32 s6, $0x1;
	s6 =	sadd.s32 s21, s4  }
0x9e: {  	[timem:s8], [sflag:s22] =	dma.local [hbm:s6], s20  }
0x9f: {  	_ =	swait.ge [sflag:s22], s20  }
0xa0: {  	s5 =	ssub.s32 $0x0, s20;
	[sflag:s22] =	ssyncset.done $0x0  }
0xa1: {  	[sflag:s22] =	ssyncadd.s32 s5;
	_ =	sdelay $0x1  }
0xa2: {  	s23 =	simm.s32 $0x1B8B  }
0xa3: {  	_ =	swait.ge [sflag:s23], $0x1  }
0xa4: {  	[sflag:s23] =	ssyncset.done $0x0  }
0xa5: {  	s25 =	simm.s32 $0x1B8E;
	s24 =	sld [smem:$0x3FFE];
	[sflag:s23] =	ssyncadd.s32 $0xFFFFFFFF  }
0xa6: {  	s26 =	simm.s32 $execute0_lowered;
	[smem:$0x3FD2] =	sst s25  }
0xa7: {  	s6 =	sshll.u32 s26, $0x1;
	_ =	strace $0x80000046;
	[dreg:$0x1] =	wrdreg $0xFFFFFFFF  }
0xa8: {  	s28 =	simm.s32 $_size_execute0_lowered;
	s4 =	sadd.s32 s4, s6;
	[dreg:$0x0] =	wrdreg $0x0  }
0xa9: {  	s6 =	sshll.u32 s28, $0x1;
	[dreg:$0x2] =	wrdreg s4  }
0xaa: {  	[dreg:$0x3] =	wrdreg s6  }
0xab: {  	[dreg:$0x4] =	wrdreg $0xC0  }
0xac: {  	_ =	task [dreg:s8], $0x5FFFF  }
0xad: {  	[dreg:$0x1] =	wrdreg $0xFFFFFFFF  }
0xae: {  	[dreg:$0x0] =	wrdreg $0x60  }
0xaf: {  	[dreg:$0x2] =	wrdreg s2  }
0xb0: {  	[dreg:$0x3] =	wrdreg s24  }
0xb1: {  	[dreg:$0x4] =	wrdreg s18  }
0xb2: {  	[dreg:$0x5] =	wrdreg $0xB0000  }
0xb3: {  	[dreg:$0x6] =	wrdreg $0x1F3000  }
0xb4: {  	[dreg:$0x7] =	wrdreg $0x9  }
0xb5: {  	_ =	task.clear_ibuf [dreg:s8], $0x8FFFF;
	_ =	strace $0x90000046  }
0xb6: {  	s29 =	simm.s32 $0x9;
	_ =	strace $0x80000048  }
0xb7: {  	_ =	swait.ge [sflag:s29], $0x1  }
0xb8: {  	[sflag:s29] =	ssyncadd.s32 $0xFFFFFFFF  }
0xb9: {  	_ =	strace $0x90000048  }
0xba: {  	_ =	sfence  }
0xbb: {  	s30 =	sld [smem:$0x0];
	_ =	sdelay $0x2  }
0xbc: {  	s31 =	sshll.u32 s1, $0xD;
	s1 =	sshrl.u32 s1, $0x2  }
0xbd: {  	s3 =	sand.u32 $0x4000, s31;
	s1 =	sadd.s32 s1, s30  }
0xbe: {  	s0 =	sor.u32 s3, s0;
	s1 =	sshll.u32 s1, $0x11  }
0xbf: {  	s0 =	sor.u32 s1, s0  }
0xc0: {  	s0 =	sadd.s32 $0x8F2B, s0  }
0xc1: {  	[sflag:s0] =	ssyncadd.remote.s32 $0x1  }
0xc2: {  	_ =	sfence.sel $0xFFFF  }
0xc3: {  	[dreg:$0x0] =	wrdreg $0xFFFFFFFF;
	(pc) =	sbr.abs _section_cstart, $3  }
0xc4: {  	[dreg:$0x1] =	wrdreg $0xFFFFFFFF  }
0xc5: {  	_ =	task.clear_ibuf [dreg:s8], $0x2FFFF;
	_ =	strace $0x9FFFFFFF  }
0xc6: {  	(tm) =	ssettm $0x7FFFFFFF  }
0xc7: {  	_ =	shalt  }
tec
execute0_lowered:
.L_overlay_start_1:
0x0: {  	(tag) =	ssettag $0x1  }
0x1: {  	s0 =	rddreg [dreg:$0x0]  }
0x2: {  	s1 =	rddreg [dreg:$0x1]  }
0x3: {  	s4 =	rddreg [dreg:$0x3];
	s2 =	srdreg.scid  }
0x4: {  	s5 =	rddreg [dreg:$0x4];
	s11 =	stileid.u32  }
0x5: {  	s6 =	simm.s32 $0x0;
	s28 =	simm.s32 $0x1F000;
	s8 =	smul.u32 $0x14000, s11  }
0x6: {  	s30 =	simm.s32 $0x80;
	s31 =	simm.s32 $0x5000;
	s23 =	smul.u32 $0x500, s11  }
0x7: {  	s2 =	sand.u32 $0x1, s2;
	s3 =	sshll.u32 s11, $0x1;
	s10 =	smul.u32 $0x50000, s11  }
0x8: {  	[smem:$0x7FF] =	sst s6;
	s9 =	sadd.s32 $0x16A00, s1;
	s11 =	smul.u32 $0xA00, s11  }
0x9: {  	s7 =	smul.u32 $0x140000, s2;
	s3 =	sor.u32 s2, s3;
	_ =	strace $0x80000047  }
0xa: {  	[dreg:$0x6] =	wrdreg s9;
	s24 =	sshll.u32 s2, $0x7;
	s2 =	ssub.s32 $0x2, s2  }
0xb: {  	s3 =	smul.u32 $0x500, s3;
	s25 =	sshrl.u32 s2, $0x1;
	s29 =	sshrl.u32 s10, $0x2  }
0xc: {  	s11 =	sshrl.u32 s11, $0x2;
	s7 =	sadd.s32 s8, s7;
	s8 =	sor.u32 s24, s23  }
0xd: {  	s2 =	ssub.s32 s2, s25;
	s10 =	sadd.s32 s29, s4;
	s11 =	sadd.s32 s11, s5  }
0xe: {  	s24 =	simm.s32 $0x4;
	s25 =	simm.s32 $0x0;
	s3 =	sadd.s32 s3, s1  }
0xf: {  	s7 =	sshrl.u32 s7, $0x3;
	s8 =	sshrl.u32 s8, $0x3;
	s14 =	smax.u32 s2, $0x1  }
0x10: {  	s15 =	sadd.s32 $0x2000, s10;
	s16 =	sadd.s32 $0x4000, s10;
	s17 =	sadd.s32 $0x6000, s10  }
0x11: {  	s18 =	sadd.s32 $0x8000, s10;
	s19 =	sadd.s32 $0xA000, s10;
	s20 =	sadd.s32 $0xC000, s10  }
0x12: {  	s21 =	sadd.s32 $0xE000, s10;
	s22 =	sadd.s32 $0x10000, s10;
	s23 =	sadd.s32 $0x12000, s10  }
0x13: {  	s2 =	simm.s32 $0x2;
	s7 =	sadd.s32 s7, s1;
	s26 =	sadd.s32 $0xCA00, s3  }
0x14: {  	s1 =	sadd.s32 s8, s1;
	s3 =	sadd.s32 $0x2A00, s3;
	[dreg:$0x7] =	wrdreg s26  }
0x15: {  	[dreg:$0x8] =	wrdreg s3;
	s12 =	sadd.s32 $0x17800, s7;
	s13 =	sadd.s32 $0x16E00, s1  }
0x16: {  	v0 =	vimm.f32 $0.0e+00;
	s26 =	simm.s32 $0x9000;
	s1 =	simm.s32 $0x1;
	s3 =	simm.s32 $0x3  }
.LBB2_1:
0x17: {  	s7 =	rddreg [dreg:$0x7]  }
0x18: {  	[tilespmem:s6], [sflag:$0x4] =	stream.linear.gather [hbm4b:s7+s6], $0x2780, $0x38;
	[tilespmem:$0x1F580] =	vst v63  }
0x19: {  	_ =	swait.ge [sflag:s24], $0x2780  }
0x1a: {  	[sflag:s24] =	ssyncset.done $0x0  }
0x1b: {  	s8 =	simm.s32 $0x2800;
	s9 =	rddreg [dreg:$0x8];
	[sflag:s24] =	ssyncadd.s32 $0xFFFFD880  }
0x1c: {  	[tilespmem:s8], [sflag:$0x4] =	stream.linear.gather [hbm4b:s9+s6], $0x2780, $0x38;
	[tilespmem:$0x1F580] =	vst v63  }
0x1d: {  	_ =	swait.ge [sflag:s24], $0x2780  }
0x1e: {  	[sflag:s24] =	ssyncset.done $0x0  }
0x1f: {  	s9 =	rddreg [dreg:$0x6];
	[sflag:s24] =	ssyncadd.s32 $0xFFFFD880  }
0x20: {  	[tilespmem:s26], [sflag:$0x4] =	stream.linear.gather [hbm4b:s9+s6], $0x2000, $0x38;
	[tilespmem:$0x1F580] =	vst v63  }
0x21: {  	_ =	swait.ge [sflag:s24], $0x2000  }
0x22: {  	[sflag:s24] =	ssyncset.done $0x0  }
0x23: {  	[sflag:s24] =	ssyncadd.s32 $0xFFFFE000  }
0x24: {  	[spmem:s10] =	stream.linear.scatter [tilespmem:s26], [sflag:$0x4], $0x2000, $0x38;
	[tilespmem:$0x1F580] =	vst v63  }
0x25: {  	_ =	swait.ge [sflag:s24], $0x2000  }
0x26: {  	[sflag:s24] =	ssyncset.done $0x0  }
0x27: {  	[sflag:s24] =	ssyncadd.s32 $0xFFFFE000  }
0x28: {  	[spmem:s15] =	stream.linear.scatter [tilespmem:s26], [sflag:$0x4], $0x2000, $0x38;
	[tilespmem:$0x1F580] =	vst v63  }
0x29: {  	_ =	swait.ge [sflag:s24], $0x2000  }
0x2a: {  	[sflag:s24] =	ssyncset.done $0x0  }
0x2b: {  	[sflag:s24] =	ssyncadd.s32 $0xFFFFE000  }
0x2c: {  	[spmem:s16] =	stream.linear.scatter [tilespmem:s26], [sflag:$0x4], $0x2000, $0x38;
	[tilespmem:$0x1F580] =	vst v63  }
0x2d: {  	_ =	swait.ge [sflag:s24], $0x2000  }
0x2e: {  	[sflag:s24] =	ssyncset.done $0x0  }
0x2f: {  	[sflag:s24] =	ssyncadd.s32 $0xFFFFE000  }
0x30: {  	[spmem:s17] =	stream.linear.scatter [tilespmem:s26], [sflag:$0x4], $0x2000, $0x38;
	[tilespmem:$0x1F580] =	vst v63  }
0x31: {  	_ =	swait.ge [sflag:s24], $0x2000  }
0x32: {  	[sflag:s24] =	ssyncset.done $0x0  }
0x33: {  	[sflag:s24] =	ssyncadd.s32 $0xFFFFE000  }
0x34: {  	[spmem:s18] =	stream.linear.scatter [tilespmem:s26], [sflag:$0x4], $0x2000, $0x38;
	[tilespmem:$0x1F580] =	vst v63  }
0x35: {  	_ =	swait.ge [sflag:s24], $0x2000  }
0x36: {  	[sflag:s24] =	ssyncset.done $0x0  }
0x37: {  	[sflag:s24] =	ssyncadd.s32 $0xFFFFE000  }
0x38: {  	[spmem:s19] =	stream.linear.scatter [tilespmem:s26], [sflag:$0x4], $0x2000, $0x38;
	[tilespmem:$0x1F580] =	vst v63  }
0x39: {  	_ =	swait.ge [sflag:s24], $0x2000  }
0x3a: {  	[sflag:s24] =	ssyncset.done $0x0  }
0x3b: {  	[sflag:s24] =	ssyncadd.s32 $0xFFFFE000  }
0x3c: {  	[spmem:s20] =	stream.linear.scatter [tilespmem:s26], [sflag:$0x4], $0x2000, $0x38;
	[tilespmem:$0x1F580] =	vst v63  }
0x3d: {  	_ =	swait.ge [sflag:s24], $0x2000  }
0x3e: {  	[sflag:s24] =	ssyncset.done $0x0  }
0x3f: {  	[sflag:s24] =	ssyncadd.s32 $0xFFFFE000  }
0x40: {  	[spmem:s21] =	stream.linear.scatter [tilespmem:s26], [sflag:$0x4], $0x2000, $0x38;
	[tilespmem:$0x1F580] =	vst v63  }
0x41: {  	_ =	swait.ge [sflag:s24], $0x2000  }
0x42: {  	[sflag:s24] =	ssyncset.done $0x0  }
0x43: {  	[sflag:s24] =	ssyncadd.s32 $0xFFFFE000  }
0x44: {  	[spmem:s22] =	stream.linear.scatter [tilespmem:s26], [sflag:$0x4], $0x2000, $0x38;
	[tilespmem:$0x1F580] =	vst v63  }
0x45: {  	_ =	swait.ge [sflag:s24], $0x2000  }
0x46: {  	[sflag:s24] =	ssyncset.done $0x0  }
0x47: {  	[sflag:s24] =	ssyncadd.s32 $0xFFFFE000  }
0x48: {  	[spmem:s23] =	stream.linear.scatter [tilespmem:s26], [sflag:$0x4], $0x2000, $0x38;
	[tilespmem:$0x1F580] =	vst v63  }
0x49: {  	_ =	swait.ge [sflag:s24], $0x2000  }
0x4a: {  	[sflag:s24] =	ssyncset.done $0x0  }
0x4b: {  	[sflag:s24] =	ssyncadd.s32 $0xFFFFE000  }
0x4c: {  	s8 =	rddreg [dreg:$0x2]  }
0x4d: {  	[tilespmem:s28], [sflag:$0x4] =	stream.linear.gather [hbm4b:s8+s6], $0x80, $0x38;
	[tilespmem:$0x1F580] =	vst v63  }
0x4e: {  	_ =	swait.ge [sflag:s24], $0x80  }
0x4f: {  	[sflag:s24] =	ssyncset.done $0x0  }
0x50: {  	[sflag:s24] =	ssyncadd.s32 $0xFFFFFF80  }
0x51: {  	[tilespmem:$0x1F080] =	vst v0  }
0x52: {  	[tilespmem:$0x1F090] =	vst v0  }
0x53: {  	[tilespmem:$0x1F0A0] =	vst v0  }
0x54: {  	[tilespmem:$0x1F0B0] =	vst v0  }
0x55: {  	[tilespmem:$0x1F0C0] =	vst v0  }
0x56: {  	[tilespmem:$0x1F0D0] =	vst v0  }
0x57: {  	[tilespmem:$0x1F0E0] =	vst v0  }
0x58: {  	[tilespmem:$0x1F0F0] =	vst v0  }
0x59: {  	[tilespmem:$0x1F100] =	vst v0  }
0x5a: {  	[tilespmem:$0x1F110] =	vst v0  }
0x5b: {  	[tilespmem:$0x1F120] =	vst v0  }
0x5c: {  	[tilespmem:$0x1F130] =	vst v0  }
0x5d: {  	[tilespmem:$0x1F140] =	vst v0  }
0x5e: {  	[tilespmem:$0x1F150] =	vst v0  }
0x5f: {  	[tilespmem:$0x1F160] =	vst v0  }
0x60: {  	[tilespmem:$0x1F170] =	vst v0  }
0x61: {  	[tilespmem:$0x1F180] =	vst v0  }
0x62: {  	[tilespmem:$0x1F190] =	vst v0  }
0x63: {  	[tilespmem:$0x1F1A0] =	vst v0  }
0x64: {  	[tilespmem:$0x1F1B0] =	vst v0  }
0x65: {  	[tilespmem:$0x1F1C0] =	vst v0  }
0x66: {  	[tilespmem:$0x1F1D0] =	vst v0  }
0x67: {  	[tilespmem:$0x1F1E0] =	vst v0  }
0x68: {  	[tilespmem:$0x1F1F0] =	vst v0  }
0x69: {  	[tilespmem:$0x1F200] =	vst v0  }
0x6a: {  	[tilespmem:$0x1F210] =	vst v0  }
0x6b: {  	[tilespmem:$0x1F220] =	vst v0  }
0x6c: {  	[tilespmem:$0x1F230] =	vst v0  }
0x6d: {  	[tilespmem:$0x1F240] =	vst v0  }
0x6e: {  	[tilespmem:$0x1F250] =	vst v0  }
0x6f: {  	[tilespmem:$0x1F260] =	vst v0  }
0x70: {  	[tilespmem:$0x1F270] =	vst v0  }
0x71: {  	[tilespmem:$0x1F280] =	vst v0  }
0x72: {  	[tilespmem:$0x1F290] =	vst v0  }
0x73: {  	[tilespmem:$0x1F2A0] =	vst v0  }
0x74: {  	[tilespmem:$0x1F2B0] =	vst v0  }
0x75: {  	[tilespmem:$0x1F2C0] =	vst v0  }
0x76: {  	[tilespmem:$0x1F2D0] =	vst v0  }
0x77: {  	[tilespmem:$0x1F2E0] =	vst v0  }
0x78: {  	s9 =	simm.s32 $0x1F080;
	[tilespmem:$0x1F2F0] =	vst v0  }
0x79: {  	[spmem:s11] =	stream.linear.scatter [tilespmem:s9], [sflag:$0x4], $0x280, $0x38;
	[tilespmem:$0x1F580] =	vst v63  }
0x7a: {  	_ =	swait.ge [sflag:s24], $0x280  }
0x7b: {  	[sflag:s24] =	ssyncset.done $0x0  }
0x7c: {  	[sflag:s24] =	ssyncadd.s32 $0xFFFFFD80  }
0x7d: {  	s8 =	simm.s32 $0x0;
	[bflag:$0x0] =	sbarrier.arrive $0xFFFF  }
0x7e: {  	[tilespmem:s31], [sflag:$0x1] =	stream.indirect.gather [hbm4b:s0+s30], $0x80, s8, s30, $0xb8;
	[tilespmem:$0x1F580] =	vst v63  }
0x7f: {  	_ =	swait.ge [sflag:s1], $0x4000  }
0x80: {  	[sflag:s1] =	ssyncset.done $0x0  }
0x81: {  	s9 =	simm.s32 $0x2800;
	[sflag:s1] =	ssyncadd.s32 $0xFFFFC000  }
0x82: {  	[spmem:s4] =	stream.indirect.scatter.add.f32 [tilespmem:s31], [sflag:$0x2], $0x80, s9, s30, $0xb8;
	[tilespmem:$0x1F580] =	vst v63  }
0x83: {  	_ = 	snop  }
0x84: {  	[spmem:s5] =	stream.indirect.scatter.add.f32 [tilespmem:s28], [sflag:$0x3], $0x1, s9, s30, $0xb8;
	[tilespmem:$0x1F580] =	vst v63  }
0x85: {  	_ =	swait.ge [sflag:s3], $0x80  }
0x86: {  	[sflag:s3] =	ssyncset.done $0x0  }
0x87: {  	[sflag:s3] =	ssyncadd.s32 $0xFFFFFF80  }
0x88: {  	_ =	swait.ge [sflag:s2], $0x4000  }
0x89: {  	s29 =	simm.s32 $0x200;
	s7 =	simm.s32 $0x400;
	[sflag:s2] =	ssyncset.done $0x0  }
.LBB2_2:
0x8a: {  	s8 =	sshra.s32 s29, $0x2  }
0x8b: {  	[sflag:s2] =	ssyncadd.s32 $0xFFFFC000;
	s29 =	smov.u32 s7;
	s9 =	sadd.s32 $0x200, s7  }
0x8c: {  	[tilespmem:s31], [sflag:$0x1] =	stream.indirect.gather [hbm4b:s0+s30], $0x80, s8, s30, $0xb8;
	[tilespmem:$0x1F580] =	vst v63  }
0x8d: {  	p0 =	sne.s32 s7, $0x9C00;
	_ =	swait.ge [sflag:s1], $0x4000  }
0x8e: {  	[sflag:s1] =	ssyncset.done $0x0  }
0x8f: {  	s7 =	sadd.s32 $0x2800, s8;
	[sflag:s1] =	ssyncadd.s32 $0xFFFFC000  }
0x90: {  	[spmem:s4] =	stream.indirect.scatter.add.f32 [tilespmem:s31], [sflag:$0x2], $0x80, s7, s30, $0xb8;
	[tilespmem:$0x1F580] =	vst v63  }
0x91: {  	_ = 	snop  }
0x92: {  	[spmem:s5] =	stream.indirect.scatter.add.f32 [tilespmem:s28], [sflag:$0x3], $0x1, s7, s30, $0xb8;
	[tilespmem:$0x1F580] =	vst v63  }
.Ltmp0:
0x93: {  	_ =	swait.ge [sflag:s3], $0x80;
	(pc) =	sbr.rel @p0 .LBB2_2-.Ltmp0, $4  }
0x94: {  	[sflag:s3] =	ssyncset.done $0x0  }
0x95: {  	[sflag:s3] =	ssyncadd.s32 $0xFFFFFF80  }
0x96: {  	_ =	swait.ge [sflag:s2], $0x4000  }
0x97: {  	s7 =	smov.u32 s9;
	[sflag:s2] =	ssyncset.done $0x0  }
0x98: {  	s7 =	sshra.s32 s29, $0x2;
	[sflag:s2] =	ssyncadd.s32 $0xFFFFC000  }
0x99: {  	[tilespmem:s31], [sflag:$0x1] =	stream.indirect.gather [hbm4b:s0+s30], $0x80, s7, s30, $0xb8;
	[tilespmem:$0x1F580] =	vst v63  }
0x9a: {  	_ =	swait.ge [sflag:s1], $0x4000  }
0x9b: {  	[sflag:s1] =	ssyncset.done $0x0  }
0x9c: {  	s7 =	sadd.s32 $0x2800, s7;
	[sflag:s1] =	ssyncadd.s32 $0xFFFFC000  }
0x9d: {  	[spmem:s4] =	stream.indirect.scatter.add.f32 [tilespmem:s31], [sflag:$0x2], $0x80, s7, s30, $0xb8;
	[tilespmem:$0x1F580] =	vst v63  }
0x9e: {  	_ = 	snop  }
0x9f: {  	[spmem:s5] =	stream.indirect.scatter.add.f32 [tilespmem:s28], [sflag:$0x3], $0x1, s7, s30, $0xb8;
	[tilespmem:$0x1F580] =	vst v63  }
0xa0: {  	_ =	swait.ge [sflag:s3], $0x80  }
0xa1: {  	[sflag:s3] =	ssyncset.done $0x0  }
0xa2: {  	[sflag:s3] =	ssyncadd.s32 $0xFFFFFF80  }
0xa3: {  	_ =	swait.ge [sflag:s2], $0x4000  }
0xa4: {  	s29 =	stileid.u32;
	[sflag:s2] =	ssyncset.done $0x0  }
0xa5: {  	s7 =	sshll.u32 s29, $0x6;
	[sflag:s2] =	ssyncadd.s32 $0xFFFFC000  }
0xa6: {  	s8 =	sshrl.u32 s10, $0x3;
	s7 =	sor.u32 $0x1C04, s7;
	[bflag:$0x0] =	sbarrier.arrive $0xFFFF  }
0xa7: {  	[hbm:s12], [sflag:s7] =	dma.local [spmem:s8], $0x2800  }
0xa8: {  	s9 =	simm.s32 $0x20;
	s25 =	sadd.s32 $0x1, s25;
	_ =	swait.ge [sflag:s24], $0x2800  }
0xa9: {  	p0 =	sne.s32 s25, s14;
	s29 =	simm.s32 $0x10;
	[sflag:s24] =	ssyncset.done $0x0  }
.Ltmp1:
0xaa: {  	s8 =	sshrl.u32 s11, $0x3;
	[sflag:s24] =	ssyncadd.s32 $0xFFFFD800;
	(pc) =	sbr.rel @p0 .LBB2_1-.Ltmp1, $4  }
0xab: {  	[hbm:s13@s9], [sflag:s7] =	dma.strided [spmem:s8@s29], $0x50, s1, $0x10   }
0xac: {  	_ =	swait.ge [sflag:s24], $0x50  }
0xad: {  	[sflag:s24] =	ssyncset.done $0x0  }
0xae: {  	[sflag:s24] =	ssyncadd.s32 $0xFFFFFFB0  }
0xaf: {  	_ =	sfence.sel $0x180000  }
0xb0: {  	[bflag:$0x0] =	sbarrier.arrive $0xFFFF  }
0xb1: {  	_ =	strace $0x90000047  }
0xb2: {  	s0 =	stileid.u32;
	[bflag:$0x2] =	sbarrier.arrive $0xFFFF  }
0xb3: {  	p0 =	sne.s32 s0, $0x0;
	s0 =	rddreg [dreg:$0x5]  }
0xb4: {  	s0 =	sadd.s32 @!p0 $0x100000, s0  }
0xb5: {  	[sflag:s0] =	ssyncadd.tile.s32 @!p0 $0x1;
	_ =	shalt  }
.Lfunc_end2:
_tile_overlayer_lowered:
.L_overlay_start_2:
0xb6: {  	(tag) =	ssettag $0x2  }
0xb7: {  	s0 =	rddreg [dreg:$0x0];
	s2 =	stileid.u32  }
0xb8: {  	s1 =	rddreg [dreg:$0x1];
	p0 =	sne.s32 s2, $0x0  }
0xb9: {  	s3 =	rddreg [dreg:$0x2];
	[bflag:$0x3] =	sbarrier.arrive $0xFFFF;
	s2 =	simm.s32 @!p0 $0x1C04  }
0xba: {  	[timem:s3], [sflag:s2] =	dma.local @!p0 [hbm:s0], s1  }
0xbb: {  	s0 =	simm.s32 @!p0 $0x4  }
0xbc: {  	_ =	swait.ge @!p0 [sflag:s0], s1  }
0xbd: {  	s1 =	ssub.s32 @!p0 $0x0, s1;
	[sflag:s0] =	ssyncset.done @!p0 $0x0  }
0xbe: {  	[sflag:s0] =	ssyncadd.s32 @!p0 s1  }
0xbf: {  	[bflag:$0x3] =	sbarrier.arrive $0xFFFF  }
0xc0: {  	_ =	shalt  }

// kernel: kernel.9.cloned.1.call-start
scs
__scs_entry_jumppad:
0x0: {  	(pc) =	sbr.rel $0x88, $3  }
0x1: {  	(tag) =	ssettag $0x0;
	lr =	simm.s32 $0x1  }
0x2: {  	[smem:$0x3F94] =	sst lr;
	_ =	strace $0xD0000000  }
0x3: {  	_ = 	snop  }
0x4: {  	_ = 	snop  }
0x5: {  	_ = 	snop  }
0x6: {  	_ = 	snop  }
0x7: {  	_ = 	snop  }
__scs_overlays_trampoline_lowered:
0x8: {  	[smem:$0x3FA3] =	sst s0  }
0x9: {  	[smem:$0x3FA4] =	sst s1  }
0xa: {  	[smem:$0x3FA5] =	sst s2  }
0xb: {  	[smem:$0x3FA6] =	sst s3  }
0xc: {  	[smem:$0x3FA7] =	sst s4  }
0xd: {  	[smem:$0x3FA8] =	sst s5  }
0xe: {  	[smem:$0x3FA9] =	sst s6  }
0xf: {  	[smem:$0x3FAA] =	sst s7  }
0x10: {  	[smem:$0x3FAB] =	sst s8  }
0x11: {  	[smem:$0x3FAC] =	sst s9;
	s0 =	simm.s32 @!p0 $0x0  }
0x12: {  	s1 =	sld [smem:$0x3F92];
	s0 =	simm.s32 @p0 $0x1  }
0x13: {  	[smem:$0x3FAD] =	sst s0;
	s0 =	simm.s32 @!p1 $0x0  }
0x14: {  	s2 =	sld [smem:$0x3F91];
	s0 =	simm.s32 @p1 $0x1  }
0x15: {  	[smem:$0x3FAE] =	sst s0;
	s0 =	simm.s32 @!p2 $0x0  }
0x16: {  	s3 =	sld [smem:$0x3FDB];
	s0 =	simm.s32 @p2 $0x1  }
0x17: {  	s4 =	simm.s32 $0x1BF5;
	[smem:$0x3FB0] =	sst s0  }
0x18: {  	s0 =	sld [smem:$0x3F93];
	_ =	swait.ge [sflag:s4], $0x0  }
0x19: {  	s7 =	sld [smem:$0x3F94]  }
0x1a: {  	s8 =	sadd.s32 $0xFFFFE003, lr  }
0x1b: {  	s9 =	sadd.s32 $0xFFFFFEF7, lr;
	s5 =	simm.s32 $0xFFFFFFFF;
	p2 =	slt.u32 s8, $0xFFFFF086  }
0x1c: {  	p1 =	slt.u32 s9, $0xF7A;
	s5 =	simm.s32 @!p2 $0x0  }
0x1d: {  	s5 =	simm.s32 @p1 $0x1;
	p0 =	seq.s32 s7, s2  }
0x1e: {  	s7 =	smul.u32 @!p0 $0xF7A, s2;
	p2 =	seq.s32 @!p0 s5, $0x0  }
0x1f: {  	s9 =	smul.u32 $0xF7A, s1;
	s8 =	simm.s32 @!p0 $0x1BF5;
	p2 =	por !p2, p0  }
0x20: {  	[sflag:s8] =	ssyncset.s32 @!p0 $0xFFFFF086;
	s6 =	sadd.s32 @!p0 s3, s7;
	s7 =	simm.s32 @!p0 $0x108  }
0x21: {  	s3 =	sadd.s32 s3, s9;
	s6 =	sadd.s32 @!p0 $0x88, s6;
	s7 =	simm.s32 @p2 $0x1082  }
0x22: {  	[simem:s7], [sflag:s8] =	dma.local @!p0 [hbm:s6], $0xF7A  }
0x23: {  	s9 =	sor.u32 $0xD0000000, s2;
	s6 =	simm.s32 $0x108;
	_ =	swait.ge @!p0 [sflag:s8], $0x0  }
0x24: {  	s3 =	sadd.s32 $0x88, s3;
	s6 =	simm.s32 @!p1 $0x1082;
	[sflag:s4] =	ssyncset.s32 $0xFFFFF086  }
0x25: {  	[simem:s6], [sflag:s4] =	dma.local [hbm:s3], $0xF7A  }
0x26: {  	[smem:$0x3F94] =	sst s1;
	(tag) =	ssettag s2;
	_ =	strace s9  }
0x27: {  	s1 =	sld [smem:$0x3FA4]  }
0x28: {  	s2 =	sld [smem:$0x3FA5]  }
0x29: {  	s4 =	sld [smem:$0x3FA7]  }
0x2a: {  	p0 =	seq.s32 s5, $0x0;
	s5 =	sld [smem:$0x3FA8]  }
0x2b: {  	s6 =	sld [smem:$0x3FA9]  }
0x2c: {  	s7 =	sld [smem:$0x3FAA]  }
0x2d: {  	s3 =	simm.s32 $0x108;
	s8 =	sld [smem:$0x3FAB]  }
0x2e: {  	s3 =	simm.s32 @!p0 $0x1082;
	s9 =	sld [smem:$0x3FAC]  }
0x2f: {  	lr =	sadd.s32 s0, s3;
	s0 =	sld [smem:$0x3FA3]  }
0x30: {  	s3 =	sld [smem:$0x3FA6]  }
0x31: {  	[smem:$0x3FAF] =	sst s10  }
0x32: {  	s10 =	sld [smem:$0x3FAD];
	_ =	sdelay $0x3  }
0x33: {  	p0 =	seq.s32 s10, $0x1;
	s10 =	sld [smem:$0x3FAF];
	_ =	sdelay $0x3  }
0x34: {  	[smem:$0x3FAF] =	sst s10  }
0x35: {  	s10 =	sld [smem:$0x3FAE];
	_ =	sdelay $0x3  }
0x36: {  	p1 =	seq.s32 s10, $0x1;
	s10 =	sld [smem:$0x3FAF];
	_ =	sdelay $0x3  }
0x37: {  	[smem:$0x3FAF] =	sst s10  }
0x38: {  	s10 =	sld [smem:$0x3FB0]  }
0x39: {  	_ = 	snop;
	(pc) =	sbr.ind lr, $3  }
0x3a: {  	_ = 	snop  }
0x3b: {  	_ = 	snop  }
0x3c: {  	p2 =	seq.s32 s10, $0x1;
	s10 =	sld [smem:$0x3FAF]  }
0x3d: {  	_ =	shalt  }
0x3e: {  	_ =	shalt  }
0x3f: {  	_ =	shalt  }
0x40: {  	_ =	shalt  }
0x41: {  	_ =	shalt  }
0x42: {  	_ =	shalt  }
0x43: {  	_ =	shalt  }
0x44: {  	_ =	shalt  }
0x45: {  	_ =	shalt  }
0x46: {  	_ =	shalt  }
0x47: {  	_ =	shalt  }
0x48: {  	_ =	shalt  }
0x49: {  	_ =	shalt  }
0x4a: {  	_ =	shalt  }
0x4b: {  	_ =	shalt  }
0x4c: {  	_ =	shalt  }
0x4d: {  	_ =	shalt  }
0x4e: {  	_ =	shalt  }
0x4f: {  	_ =	shalt  }
0x50: {  	_ =	shalt  }
0x51: {  	_ =	shalt  }
0x52: {  	_ =	shalt  }
0x53: {  	_ =	shalt  }
0x54: {  	_ =	shalt  }
0x55: {  	_ =	shalt  }
0x56: {  	_ =	shalt  }
0x57: {  	_ =	shalt  }
0x58: {  	_ =	shalt  }
0x59: {  	_ =	shalt  }
0x5a: {  	_ =	shalt  }
0x5b: {  	_ =	shalt  }
0x5c: {  	_ =	shalt  }
0x5d: {  	_ =	shalt  }
0x5e: {  	_ =	shalt  }
0x5f: {  	_ =	shalt  }
0x60: {  	_ =	shalt  }
0x61: {  	_ =	shalt  }
0x62: {  	_ =	shalt  }
0x63: {  	_ =	shalt  }
0x64: {  	_ =	shalt  }
0x65: {  	_ =	shalt  }
0x66: {  	_ =	shalt  }
0x67: {  	_ =	shalt  }
0x68: {  	_ =	shalt  }
0x69: {  	_ =	shalt  }
0x6a: {  	_ =	shalt  }
0x6b: {  	_ =	shalt  }
0x6c: {  	_ =	shalt  }
0x6d: {  	_ =	shalt  }
0x6e: {  	_ =	shalt  }
0x6f: {  	_ =	shalt  }
0x70: {  	_ =	shalt  }
0x71: {  	_ =	shalt  }
0x72: {  	_ =	shalt  }
0x73: {  	_ =	shalt  }
0x74: {  	_ =	shalt  }
0x75: {  	_ =	shalt  }
0x76: {  	_ =	shalt  }
0x77: {  	_ =	shalt  }
0x78: {  	_ =	shalt  }
0x79: {  	_ =	shalt  }
0x7a: {  	_ =	shalt  }
0x7b: {  	_ =	shalt  }
0x7c: {  	_ =	shalt  }
0x7d: {  	_ =	shalt  }
0x7e: {  	_ =	shalt  }
0x7f: {  	_ =	shalt  }
0x80: {  	_ =	shalt  }
0x81: {  	_ =	shalt  }
0x82: {  	_ =	shalt  }
0x83: {  	_ =	shalt  }
0x84: {  	_ =	shalt  }
0x85: {  	_ =	shalt  }
0x86: {  	_ =	shalt  }
0x87: {  	_ =	shalt  }
.Lfunc_end0:
.L_simem_size_0:
called_computation.1_lowered:
.L_overlay_start_0:
0x88: {  	s2 =	sld [smem:$0x3FD9]  }
0x89: {  	s3 =	sld [smem:$0x3FFE];
	_ =	sdelay $0x1  }
0x8a: {  	s1 =	srdreg.scid  }
0x8b: {  	s0 =	sand.u32 $0x1, s1  }
0x8c: {  	s16 =	sshll.u32 s0, $0xA;
	s2 =	sadd.s32 s3, s2  }
0x8d: {  	s2 =	sadd.s32 s2, s16  }
0x8e: {  	[smem:$0x3FBB] =	sst s2  }
0x8f: {  	_ = 	snop  }
0x90: {  	(tm) =	ssettm $0x1  }
0x91: {  	s17 =	sld [smem:$0x3FFB];
	_ =	sdelay $0x3  }
0x92: {  	_ =	strace s17  }
0x93: {  	s2 =	sld [smem:$0x3FFC];
	_ =	sdelay $0x3  }
0x94: {  	_ =	strace s2  }
0x95: {  	s2 =	sld [smem:$0x3FFD];
	_ =	sdelay $0x3  }
0x96: {  	_ =	strace s2  }
0x97: {  	_ =	strace $0x8FFFFFFF  }
0x98: {  	s18 =	sld [smem:$0x3FDB];
	_ =	sdelay $0x1  }
0x99: {  	s19 =	simm.s32 $_scs_section_size  }
0x9a: {  	s4 =	simm.s32 $_size__tile_overlayer_lowered;
	s5 =	simm.s32 $_tile_overlayer_lowered  }
0x9b: {  	s22 =	simm.s32 $0x1BFF;
	s21 =	sshll.u32 s5, $0x1;
	s2 =	sadd.s32 s19, s18  }
0x9c: {  	s6 =	simm.s32 $0x0;
	s20 =	sshll.u32 s4, $0x1;
	s4 =	sadd.s32 s21, s2  }
0x9d: {  	[timem:s6], [sflag:s22] =	dma.local [hbm:s4], s20  }
0x9e: {  	_ =	swait.ge [sflag:s22], s20  }
0x9f: {  	s3 =	ssub.s32 $0x0, s20;
	[sflag:s22] =	ssyncset.done $0x0  }
0xa0: {  	[sflag:s22] =	ssyncadd.s32 s3;
	_ =	sdelay $0x1  }
0xa1: {  	s23 =	simm.s32 $0x1B8B  }
0xa2: {  	_ =	swait.ge [sflag:s23], $0x1  }
0xa3: {  	[sflag:s23] =	ssyncset.done $0x0  }
0xa4: {  	s25 =	simm.s32 $0x1B8E;
	s24 =	sld [smem:$0x3FFE];
	[sflag:s23] =	ssyncadd.s32 $0xFFFFFFFF  }
0xa5: {  	s26 =	simm.s32 $execute0_lowered;
	[smem:$0x3FD2] =	sst s25  }
0xa6: {  	s4 =	sshll.u32 s26, $0x1;
	_ =	strace $0x80000049;
	[dreg:$0x1] =	wrdreg $0xFFFFFFFF  }
0xa7: {  	s28 =	simm.s32 $_size_execute0_lowered;
	s2 =	sadd.s32 s2, s4;
	[dreg:$0x0] =	wrdreg $0x0  }
0xa8: {  	s4 =	sshll.u32 s28, $0x1;
	[dreg:$0x2] =	wrdreg s2  }
0xa9: {  	[dreg:$0x3] =	wrdreg s4  }
0xaa: {  	[dreg:$0x4] =	wrdreg $0xC0  }
0xab: {  	_ =	task [dreg:s6], $0x5FFFF  }
0xac: {  	[dreg:$0x1] =	wrdreg $0xFFFFFFFF  }
0xad: {  	[dreg:$0x0] =	wrdreg $0x60  }
0xae: {  	[dreg:$0x2] =	wrdreg s24  }
0xaf: {  	[dreg:$0x3] =	wrdreg $0xB0000  }
0xb0: {  	[dreg:$0x4] =	wrdreg $0x9  }
0xb1: {  	_ =	task.clear_ibuf [dreg:s6], $0x5FFFF;
	_ =	strace $0x90000049  }
0xb2: {  	s29 =	simm.s32 $0x9;
	_ =	strace $0x8000004B  }
0xb3: {  	_ =	swait.ge [sflag:s29], $0x1  }
0xb4: {  	[sflag:s29] =	ssyncadd.s32 $0xFFFFFFFF  }
0xb5: {  	_ =	strace $0x9000004B  }
0xb6: {  	_ =	sfence  }
0xb7: {  	s30 =	sld [smem:$0x0];
	_ =	sdelay $0x2  }
0xb8: {  	s31 =	sshll.u32 s1, $0xD;
	s1 =	sshrl.u32 s1, $0x2  }
0xb9: {  	s3 =	sand.u32 $0x4000, s31;
	s1 =	sadd.s32 s1, s30  }
0xba: {  	s0 =	sor.u32 s3, s0;
	s1 =	sshll.u32 s1, $0x11  }
0xbb: {  	s0 =	sor.u32 s1, s0  }
0xbc: {  	s0 =	sadd.s32 $0x8F2B, s0  }
0xbd: {  	[sflag:s0] =	ssyncadd.remote.s32 $0x1  }
0xbe: {  	_ =	sfence.sel $0xFFFF  }
0xbf: {  	[dreg:$0x0] =	wrdreg $0xFFFFFFFF;
	(pc) =	sbr.abs _section_cstart, $3  }
0xc0: {  	[dreg:$0x1] =	wrdreg $0xFFFFFFFF  }
0xc1: {  	_ =	task.clear_ibuf [dreg:s6], $0x2FFFF;
	_ =	strace $0x9FFFFFFF  }
0xc2: {  	(tm) =	ssettm $0x7FFFFFFF  }
0xc3: {  	_ =	shalt  }
tec
execute0_lowered:
.L_overlay_start_1:
0x0: {  	(tag) =	ssettag $0x1  }
0x1: {  	s1 =	srdreg.scid;
	s6 =	rddreg [dreg:$0x0]  }
0x2: {  	s0 =	stileid.u32;
	s2 =	rddreg [dreg:$0x1]  }
0x3: {  	s3 =	simm.s32 $0x0;
	s20 =	simm.s32 $0x3;
	s21 =	simm.s32 $0x2800  }
0x4: {  	s22 =	simm.s32 $0x9000;
	s23 =	simm.s32 $0x80;
	s24 =	simm.s32 $0x5000  }
0x5: {  	s25 =	simm.s32 $0x1;
	s28 =	simm.s32 $0x0;
	s5 =	sand.u32 $0x1, s1  }
0x6: {  	s26 =	sshll.u32 s0, $0x1;
	[smem:$0x7FF] =	sst s3;
	s9 =	smul.u32 $0x14000, s0  }
0x7: {  	s4 =	sadd.s32 $0x16E00, s6;
	s10 =	smul.u32 $0x50000, s0;
	s1 =	sor.u32 s5, s26  }
0x8: {  	s8 =	smul.u32 $0x140000, s5;
	_ =	strace $0x8000004A;
	s29 =	ssub.s32 $0x2, s5  }
0x9: {  	s5 =	sadd.s32 $0x16A00, s6;
	s26 =	simm.s32 $0x2;
	s7 =	smul.u32 $0x500, s1  }
0xa: {  	s30 =	sshrl.u32 s29, $0x1;
	s31 =	sshrl.u32 s10, $0x2;
	s8 =	sadd.s32 s9, s8  }
0xb: {  	s12 =	ssub.s32 s29, s30;
	s7 =	sadd.s32 s7, s6;
	s8 =	sshrl.u32 s8, $0x3  }
0xc: {  	s10 =	smax.u32 s12, $0x1;
	s11 =	sadd.s32 s8, s6;
	s6 =	sadd.s32 $0xCA00, s7  }
0xd: {  	s7 =	sadd.s32 $0x2A00, s7;
	s8 =	sadd.s32 s31, s2;
	s9 =	sadd.s32 $0xB7800, s11  }
0xe: {  	s11 =	sadd.s32 $0x2000, s8;
	s12 =	sadd.s32 $0x4000, s8;
	s13 =	sadd.s32 $0x6000, s8  }
0xf: {  	s14 =	sadd.s32 $0x8000, s8;
	s15 =	sadd.s32 $0xA000, s8;
	s16 =	sadd.s32 $0xC000, s8  }
0x10: {  	s17 =	sadd.s32 $0xE000, s8;
	s18 =	sadd.s32 $0x10000, s8;
	s19 =	sadd.s32 $0x12000, s8  }
.LBB2_1:
0x11: {  	[tilespmem:s3], [sflag:$0x3] =	stream.linear.gather [hbm4b:s6+s3], $0x2780, $0x38;
	[tilespmem:$0x1F000] =	vst v63  }
0x12: {  	_ =	swait.ge [sflag:s20], $0x2780  }
0x13: {  	[sflag:s20] =	ssyncset.done $0x0  }
0x14: {  	[sflag:s20] =	ssyncadd.s32 $0xFFFFD880  }
0x15: {  	[tilespmem:s21], [sflag:$0x3] =	stream.linear.gather [hbm4b:s7+s3], $0x2780, $0x38;
	[tilespmem:$0x1F000] =	vst v63  }
0x16: {  	_ =	swait.ge [sflag:s20], $0x2780  }
0x17: {  	[sflag:s20] =	ssyncset.done $0x0  }
0x18: {  	[sflag:s20] =	ssyncadd.s32 $0xFFFFD880  }
0x19: {  	[tilespmem:s22], [sflag:$0x3] =	stream.linear.gather [hbm4b:s5+s3], $0x2000, $0x38;
	[tilespmem:$0x1F000] =	vst v63  }
0x1a: {  	_ =	swait.ge [sflag:s20], $0x2000  }
0x1b: {  	[sflag:s20] =	ssyncset.done $0x0  }
0x1c: {  	[sflag:s20] =	ssyncadd.s32 $0xFFFFE000  }
0x1d: {  	[spmem:s8] =	stream.linear.scatter [tilespmem:s22], [sflag:$0x3], $0x2000, $0x38;
	[tilespmem:$0x1F000] =	vst v63  }
0x1e: {  	_ =	swait.ge [sflag:s20], $0x2000  }
0x1f: {  	[sflag:s20] =	ssyncset.done $0x0  }
0x20: {  	[sflag:s20] =	ssyncadd.s32 $0xFFFFE000  }
0x21: {  	[spmem:s11] =	stream.linear.scatter [tilespmem:s22], [sflag:$0x3], $0x2000, $0x38;
	[tilespmem:$0x1F000] =	vst v63  }
0x22: {  	_ =	swait.ge [sflag:s20], $0x2000  }
0x23: {  	[sflag:s20] =	ssyncset.done $0x0  }
0x24: {  	[sflag:s20] =	ssyncadd.s32 $0xFFFFE000  }
0x25: {  	[spmem:s12] =	stream.linear.scatter [tilespmem:s22], [sflag:$0x3], $0x2000, $0x38;
	[tilespmem:$0x1F000] =	vst v63  }
0x26: {  	_ =	swait.ge [sflag:s20], $0x2000  }
0x27: {  	[sflag:s20] =	ssyncset.done $0x0  }
0x28: {  	[sflag:s20] =	ssyncadd.s32 $0xFFFFE000  }
0x29: {  	[spmem:s13] =	stream.linear.scatter [tilespmem:s22], [sflag:$0x3], $0x2000, $0x38;
	[tilespmem:$0x1F000] =	vst v63  }
0x2a: {  	_ =	swait.ge [sflag:s20], $0x2000  }
0x2b: {  	[sflag:s20] =	ssyncset.done $0x0  }
0x2c: {  	[sflag:s20] =	ssyncadd.s32 $0xFFFFE000  }
0x2d: {  	[spmem:s14] =	stream.linear.scatter [tilespmem:s22], [sflag:$0x3], $0x2000, $0x38;
	[tilespmem:$0x1F000] =	vst v63  }
0x2e: {  	_ =	swait.ge [sflag:s20], $0x2000  }
0x2f: {  	[sflag:s20] =	ssyncset.done $0x0  }
0x30: {  	[sflag:s20] =	ssyncadd.s32 $0xFFFFE000  }
0x31: {  	[spmem:s15] =	stream.linear.scatter [tilespmem:s22], [sflag:$0x3], $0x2000, $0x38;
	[tilespmem:$0x1F000] =	vst v63  }
0x32: {  	_ =	swait.ge [sflag:s20], $0x2000  }
0x33: {  	[sflag:s20] =	ssyncset.done $0x0  }
0x34: {  	[sflag:s20] =	ssyncadd.s32 $0xFFFFE000  }
0x35: {  	[spmem:s16] =	stream.linear.scatter [tilespmem:s22], [sflag:$0x3], $0x2000, $0x38;
	[tilespmem:$0x1F000] =	vst v63  }
0x36: {  	_ =	swait.ge [sflag:s20], $0x2000  }
0x37: {  	[sflag:s20] =	ssyncset.done $0x0  }
0x38: {  	[sflag:s20] =	ssyncadd.s32 $0xFFFFE000  }
0x39: {  	[spmem:s17] =	stream.linear.scatter [tilespmem:s22], [sflag:$0x3], $0x2000, $0x38;
	[tilespmem:$0x1F000] =	vst v63  }
0x3a: {  	_ =	swait.ge [sflag:s20], $0x2000  }
0x3b: {  	[sflag:s20] =	ssyncset.done $0x0  }
0x3c: {  	[sflag:s20] =	ssyncadd.s32 $0xFFFFE000  }
0x3d: {  	[spmem:s18] =	stream.linear.scatter [tilespmem:s22], [sflag:$0x3], $0x2000, $0x38;
	[tilespmem:$0x1F000] =	vst v63  }
0x3e: {  	_ =	swait.ge [sflag:s20], $0x2000  }
0x3f: {  	[sflag:s20] =	ssyncset.done $0x0  }
0x40: {  	[sflag:s20] =	ssyncadd.s32 $0xFFFFE000  }
0x41: {  	[spmem:s19] =	stream.linear.scatter [tilespmem:s22], [sflag:$0x3], $0x2000, $0x38;
	[tilespmem:$0x1F000] =	vst v63  }
0x42: {  	_ =	swait.ge [sflag:s20], $0x2000  }
0x43: {  	[sflag:s20] =	ssyncset.done $0x0  }
0x44: {  	[sflag:s20] =	ssyncadd.s32 $0xFFFFE000  }
0x45: {  	s29 =	simm.s32 $0x0;
	[bflag:$0x0] =	sbarrier.arrive $0xFFFF  }
0x46: {  	[tilespmem:s24], [sflag:$0x1] =	stream.indirect.gather [hbm4b:s4+s23], $0x80, s29, s23, $0xb8;
	[tilespmem:$0x1F000] =	vst v63  }
0x47: {  	_ =	swait.ge [sflag:s25], $0x4000  }
0x48: {  	[sflag:s25] =	ssyncset.done $0x0  }
0x49: {  	s29 =	simm.s32 $0x2800;
	[sflag:s25] =	ssyncadd.s32 $0xFFFFC000  }
0x4a: {  	[spmem:s2] =	stream.indirect.scatter.add.f32 [tilespmem:s24], [sflag:$0x2], $0x80, s29, s23, $0xb8;
	[tilespmem:$0x1F000] =	vst v63  }
0x4b: {  	_ =	swait.ge [sflag:s26], $0x4000  }
0x4c: {  	s30 =	simm.s32 $0x400;
	s29 =	simm.s32 $0x200;
	[sflag:s26] =	ssyncset.done $0x0  }
.LBB2_2:
0x4d: {  	s31 =	sshra.s32 s29, $0x2  }
0x4e: {  	[sflag:s26] =	ssyncadd.s32 $0xFFFFC000;
	s29 =	smov.u32 s30;
	s1 =	sadd.s32 $0x200, s30  }
0x4f: {  	[tilespmem:s24], [sflag:$0x1] =	stream.indirect.gather [hbm4b:s4+s23], $0x80, s31, s23, $0xb8;
	[tilespmem:$0x1F000] =	vst v63  }
0x50: {  	p0 =	sne.s32 s30, $0x9C00;
	_ =	swait.ge [sflag:s25], $0x4000  }
.Ltmp0:
0x51: {  	[sflag:s25] =	ssyncset.done $0x0;
	(pc) =	sbr.rel @p0 .LBB2_2-.Ltmp0, $4  }
0x52: {  	s30 =	sadd.s32 $0x2800, s31;
	[sflag:s25] =	ssyncadd.s32 $0xFFFFC000  }
0x53: {  	[spmem:s2] =	stream.indirect.scatter.add.f32 [tilespmem:s24], [sflag:$0x2], $0x80, s30, s23, $0xb8;
	[tilespmem:$0x1F000] =	vst v63  }
0x54: {  	_ =	swait.ge [sflag:s26], $0x4000  }
0x55: {  	s30 =	smov.u32 s1;
	[sflag:s26] =	ssyncset.done $0x0  }
0x56: {  	s1 =	sshra.s32 s29, $0x2;
	[sflag:s26] =	ssyncadd.s32 $0xFFFFC000  }
0x57: {  	[tilespmem:s24], [sflag:$0x1] =	stream.indirect.gather [hbm4b:s4+s23], $0x80, s1, s23, $0xb8;
	[tilespmem:$0x1F000] =	vst v63  }
0x58: {  	_ =	swait.ge [sflag:s25], $0x4000  }
0x59: {  	[sflag:s25] =	ssyncset.done $0x0  }
0x5a: {  	s1 =	sadd.s32 $0x2800, s1;
	[sflag:s25] =	ssyncadd.s32 $0xFFFFC000  }
0x5b: {  	[spmem:s2] =	stream.indirect.scatter.add.f32 [tilespmem:s24], [sflag:$0x2], $0x80, s1, s23, $0xb8;
	[tilespmem:$0x1F000] =	vst v63  }
0x5c: {  	_ =	swait.ge [sflag:s26], $0x4000  }
0x5d: {  	s30 =	sshll.u32 s0, $0x6;
	s28 =	sadd.s32 $0x1, s28;
	[sflag:s26] =	ssyncset.done $0x0  }
0x5e: {  	s31 =	sshrl.u32 s8, $0x3;
	p0 =	sne.s32 s28, s10;
	[sflag:s26] =	ssyncadd.s32 $0xFFFFC000  }
.Ltmp1:
0x5f: {  	s1 =	sor.u32 $0x1C03, s30;
	[bflag:$0x0] =	sbarrier.arrive $0xFFFF;
	(pc) =	sbr.rel @p0 .LBB2_1-.Ltmp1, $4  }
0x60: {  	[hbm:s9], [sflag:s1] =	dma.local [spmem:s31], $0x2800  }
0x61: {  	_ =	swait.ge [sflag:s20], $0x2800  }
0x62: {  	[sflag:s20] =	ssyncset.done $0x0  }
0x63: {  	[sflag:s20] =	ssyncadd.s32 $0xFFFFD800  }
0x64: {  	_ =	sfence.sel $0x180000  }
0x65: {  	[bflag:$0x0] =	sbarrier.arrive $0xFFFF  }
0x66: {  	_ =	strace $0x9000004A  }
0x67: {  	[bflag:$0x2] =	sbarrier.arrive $0xFFFF  }
0x68: {  	p0 =	sne.s32 s0, $0x0;
	s0 =	rddreg [dreg:$0x2]  }
0x69: {  	s0 =	sadd.s32 @!p0 $0x100000, s0  }
0x6a: {  	[sflag:s0] =	ssyncadd.tile.s32 @!p0 $0x1;
	_ =	shalt  }
.Lfunc_end2:
_tile_overlayer_lowered:
.L_overlay_start_2:
0x6b: {  	(tag) =	ssettag $0x2  }
0x6c: {  	s0 =	rddreg [dreg:$0x0];
	s2 =	stileid.u32  }
0x6d: {  	s1 =	rddreg [dreg:$0x1];
	p0 =	sne.s32 s2, $0x0  }
0x6e: {  	s3 =	rddreg [dreg:$0x2];
	[bflag:$0x3] =	sbarrier.arrive $0xFFFF;
	s2 =	simm.s32 @!p0 $0x1C03  }
0x6f: {  	[timem:s3], [sflag:s2] =	dma.local @!p0 [hbm:s0], s1  }
0x70: {  	s0 =	simm.s32 @!p0 $0x3  }
0x71: {  	_ =	swait.ge @!p0 [sflag:s0], s1  }
0x72: {  	s1 =	ssub.s32 @!p0 $0x0, s1;
	[sflag:s0] =	ssyncset.done @!p0 $0x0  }
0x73: {  	[sflag:s0] =	ssyncadd.s32 @!p0 s1  }
0x74: {  	[bflag:$0x3] =	sbarrier.arrive $0xFFFF  }
0x75: {  	_ =	shalt  }

</sc_bundles>
